<compile_context>
chip_gen: v7x
topology: tpu7x:2x2x1
jax: 0.10.2.dev20260603
libtpu: 0.0.44.dev20260713+nightly
codegen_flags: <defaults>
</compile_context>

<pallas_src>
import functools

import jax
import jax.numpy as jnp
from jax import lax
from jax.experimental import pallas as pl
from jax.experimental.pallas import tpu as pltpu
from jax.experimental.pallas import tpu_sc as plsc

N = 4096
M = 4096
NNZ = 163840

NC = 2
NS = 16
L = 16
CHUNK = NNZ // NS


def _sc_body(pd, pr, pc, ad, ar, ac, x, y, sv, w,
             opx, opux, oatuy, oaux,
             dat, ia, ib, srcA, srcB, t1, t2, acc0, acc1, sem):
    c = lax.axis_index("c")
    s = lax.axis_index("s")
    off = s * CHUNK

    HALF = CHUNK // 2

    @plsc.parallel_loop(0, N, L, unroll=4)
    def _z(i):
        z = jnp.zeros((L,), jnp.float32)
        acc0[pl.ds(i, L)] = z
        acc1[pl.ds(i, L)] = z

    @pl.when(c == 0)
    def _p_side():
        h0 = pl.ds(0, HALF)
        h1 = pl.ds(HALF, HALF)
        first = [
            pltpu.async_copy(x, srcA, sem),
            pltpu.async_copy(w.at[pl.ds(0, N)], srcB, sem),
            pltpu.async_copy(pd.at[pl.ds(off, HALF)], dat.at[h0], sem),
            pltpu.async_copy(pr.at[pl.ds(off, HALF)], ia.at[h0], sem),
            pltpu.async_copy(pc.at[pl.ds(off, HALF)], ib.at[h0], sem),
        ]
        second = [
            pltpu.async_copy(pd.at[pl.ds(off + HALF, HALF)], dat.at[h1], sem),
            pltpu.async_copy(pr.at[pl.ds(off + HALF, HALF)], ia.at[h1], sem),
            pltpu.async_copy(pc.at[pl.ds(off + HALF, HALF)], ib.at[h1], sem),
        ]

        for cp in first:
            cp.wait()

        def _pmain(i):
            sl = pl.ds(i, L)
            d = dat[sl]
            va = ia[sl]
            vb = ib[sl]
            g0 = plsc.load_gather(srcA, [vb])
            plsc.addupdate_scatter(acc0, [va], d * g0)
            g1 = plsc.load_gather(srcB, [vb])
            plsc.addupdate_scatter(acc1, [va], d * g1)

        for cp in second:
            cp.wait()
        plsc.parallel_loop(0, CHUNK, L, unroll=4)(_pmain)

        pltpu.sync_copy(acc0, opx.at[s])
        pltpu.sync_copy(acc1, opux.at[s])

    @pl.when(c != 0)
    def _a_side():
        h0 = pl.ds(0, HALF)
        h1 = pl.ds(HALF, HALF)
        first = [
            pltpu.async_copy(y, t1, sem),
            pltpu.async_copy(sv, t2, sem),
            pltpu.async_copy(w.at[pl.ds(N, M)], srcA, sem),
            pltpu.async_copy(w.at[pl.ds(0, N)], srcB, sem),
            pltpu.async_copy(ad.at[pl.ds(off, HALF)], dat.at[h0], sem),
            pltpu.async_copy(ar.at[pl.ds(off, HALF)], ia.at[h0], sem),
            pltpu.async_copy(ac.at[pl.ds(off, HALF)], ib.at[h0], sem),
        ]
        second = [
            pltpu.async_copy(ad.at[pl.ds(off + HALF, HALF)], dat.at[h1], sem),
            pltpu.async_copy(ar.at[pl.ds(off + HALF, HALF)], ia.at[h1], sem),
            pltpu.async_copy(ac.at[pl.ds(off + HALF, HALF)], ib.at[h1], sem),
        ]

        for cp in first:
            cp.wait()

        @plsc.parallel_loop(0, M, L, unroll=4)
        def _uy(i):
            sl = pl.ds(i, L)
            v = t1[sl] - t2[sl]
            srcA[sl] = jnp.where(v > 0, srcA[sl], jnp.zeros((L,), jnp.float32))

        def _amain(i):
            sl = pl.ds(i, L)
            d = dat[sl]
            va = ia[sl]
            vb = ib[sl]
            g0 = plsc.load_gather(srcA, [va])
            plsc.addupdate_scatter(acc0, [vb], d * g0)
            g1 = plsc.load_gather(srcB, [vb])
            plsc.addupdate_scatter(acc1, [va], d * g1)

        for cp in second:
            cp.wait()
        plsc.parallel_loop(0, CHUNK, L, unroll=4)(_amain)

        pltpu.sync_copy(acc0, oatuy.at[s])
        pltpu.sync_copy(acc1, oaux.at[s])


_sc_spmv = functools.partial(
    pl.kernel,
    out_type=[jax.ShapeDtypeStruct((NS, N), jnp.float32) for _ in range(4)],
    mesh=plsc.VectorSubcoreMesh(
        core_axis_name="c", subcore_axis_name="s", num_cores=NC, num_subcores=NS
    ),
    scratch_types=[
        pltpu.VMEM((CHUNK,), jnp.float32),
        pltpu.VMEM((CHUNK,), jnp.int32),
        pltpu.VMEM((CHUNK,), jnp.int32),
        pltpu.VMEM((N,), jnp.float32),
        pltpu.VMEM((N,), jnp.float32),
        pltpu.VMEM((M,), jnp.float32),
        pltpu.VMEM((M,), jnp.float32),
        pltpu.VMEM((N,), jnp.float32),
        pltpu.VMEM((N,), jnp.float32),
        pltpu.SemaphoreType.DMA,
    ],
    compiler_params=pltpu.CompilerParams(needs_layout_passes=False),
)(_sc_body)


def _tc_body(x_r, y_r, s_r, q_r, b_r, w_r,
             pxp, puxp, atuyp, auxp, out):
    Px = jnp.sum(pxp[...], axis=0)
    Pux = jnp.sum(puxp[...], axis=0)
    ATuy = jnp.sum(atuyp[...], axis=0)
    Aux = jnp.sum(auxp[...], axis=0)
    wx = w_r[pl.ds(0, N)]
    wy = w_r[pl.ds(N, M)]
    wtau = jnp.sum(w_r[pl.ds(N + M, 1)])
    v = y_r[...] - s_r[...]
    uy = jnp.where(v > 0, wy, jnp.zeros_like(wy))
    out[pl.ds(0, N)] = Pux + ATuy + q_r[...] * wtau
    out[pl.ds(N, M)] = -Aux + b_r[...] * wtau + wy - uy
    xTPx = jnp.sum(x_r[...] * Px)
    r3val = (-jnp.sum(q_r[...] * wx) - jnp.sum(b_r[...] * uy)
             - 2.0 * jnp.sum(Px * wx) + xTPx * wtau)
    out[pl.ds(N + M, 1)] = jnp.full((1,), r3val, jnp.float32)


def kernel(x, y, s, q, b, P_data, P_rows, P_cols, A_data, A_rows, A_cols, w):
    px_p, pux_p, atuy_p, aux_p = _sc_spmv(
        P_data, P_rows.astype(jnp.int32), P_cols.astype(jnp.int32),
        A_data, A_rows.astype(jnp.int32), A_cols.astype(jnp.int32),
        x, y, s, w,
    )

    return pl.pallas_call(
        _tc_body,
        out_shape=jax.ShapeDtypeStruct((N + M + 1,), jnp.float32),
    )(x, y, s, q, b, w, px_p, pux_p, atuy_p, aux_p)

# --- scband reference (transcript-rebuilt; emitter-appended) ---
"""Pipeline reference for scband-abstract-qcp-19258633355454 (READ-ONLY COPY).

The authoritative reference and input builder live on the scoring server;
editing this copy changes nothing except your own understanding.
"""

import jax, jax.numpy as jnp
import numpy as np

N = 4096
M = 4096
NNZ = 163840


def _spmv(data, rows, cols, vec, out_dim):
    # sparse COO matvec: out[r] += data * vec[c]
    return jnp.zeros((out_dim,), dtype=vec.dtype).at[rows].add(data * vec[cols])


def setup_inputs(seed: int = 0) -> dict:
    key = jax.random.key(seed)
    ks = jax.random.split(key, 12)
    x = jax.random.normal(ks[0], (N,), dtype=jnp.float32)
    y = jax.random.normal(ks[1], (M,), dtype=jnp.float32)
    s = jax.random.normal(ks[2], (M,), dtype=jnp.float32)
    q = jax.random.normal(ks[3], (N,), dtype=jnp.float32)
    b = jax.random.normal(ks[4], (M,), dtype=jnp.float32)
    P_data = jax.random.normal(ks[5], (NNZ,), dtype=jnp.float32)
    P_rows = jax.random.randint(ks[6], (NNZ,), 0, N)
    P_cols = jax.random.randint(ks[7], (NNZ,), 0, N)
    A_data = jax.random.normal(ks[8], (NNZ,), dtype=jnp.float32)
    A_rows = jax.random.randint(ks[9], (NNZ,), 0, M)
    A_cols = jax.random.randint(ks[10], (NNZ,), 0, N)
    w = jax.random.normal(ks[11], (N + M + 1,), dtype=jnp.float32)
    return {"x": x, "y": y, "s": s, "q": q, "b": b,
            "P_data": P_data, "P_rows": P_rows, "P_cols": P_cols,
            "A_data": A_data, "A_rows": A_rows, "A_cols": A_cols, "w": w}


def reference(x, y, s, q, b, P_data, P_rows, P_cols, A_data, A_rows, A_cols, w):
    # _form_atoms of AbstractQCP, with K* = nonnegative orthant, and the
    # resulting linear operator F applied to a probe vector w.
    tau = jnp.array(1.0, dtype=x.dtype)
    v = y - s
    proj_kstar_v = jnp.maximum(v, 0.0)                       # cone projection Pi_{K*}(v)
    pi_z = jnp.concatenate([x, proj_kstar_v, jnp.array([1.0], dtype=x.dtype)])
    Px = _spmv(P_data, P_rows, P_cols, x, N)                 # P @ x
    xTPx = jnp.dot(x, Px)                                    # x^T P x
    # dpi(z) @ w  (block-diagonal: I, dPi_{K*}, I)
    wx = w[:N]
    wy = w[N:N + M]
    wtau = w[N + M]
    uy = jnp.where(v > 0, wy, jnp.zeros_like(wy))            # dproj_kstar_v @ wy
    ux = wx
    utau = wtau
    dpi_w = jnp.concatenate([ux, uy, wtau[None]])
    # DuQ(pi_z) @ dpi_w  (derivative of homogeneous embedding map)
    Pux = _spmv(P_data, P_rows, P_cols, ux, N)               # P @ ux
    ATuy = _spmv(A_data, A_cols, A_rows, uy, N)              # A^T @ uy
    Aux = _spmv(A_data, A_rows, A_cols, ux, M)               # A @ ux
    r1 = Pux + ATuy + q * utau
    r2 = -Aux + b * utau
    r3 = (-jnp.dot(q, ux) - jnp.dot(b, uy)
          - 2.0 * jnp.dot(Px, ux) / tau
          + xTPx * utau / (tau * tau))
    DuQ_w = jnp.concatenate([r1, r2, r3[None]])
    # F = DzQ(pi_z) @ dpi_z - dpi_z + I
    Fw = DuQ_w - dpi_w + w
    return Fw

if __name__ == "__main__":
    import jax
    _d = setup_inputs()
    print(jax.jit(kernel)(*tuple(_d.values())))

</pallas_src>

<mosaic_0001>
#map = affine_map<(d0, d1) -> (0)>
#map1 = affine_map<(d0, d1) -> (0, 0)>
module attributes {stable_mosaic.version = 14 : i64} {
  func.func @_sc_body(%arg0: i32, %arg1: i32, %arg2: memref<163840xf32, #tpu.memory_space<hbm>>, %arg3: memref<163840xi32, #tpu.memory_space<hbm>>, %arg4: memref<163840xi32, #tpu.memory_space<hbm>>, %arg5: memref<163840xf32, #tpu.memory_space<hbm>>, %arg6: memref<163840xi32, #tpu.memory_space<hbm>>, %arg7: memref<163840xi32, #tpu.memory_space<hbm>>, %arg8: memref<4096xf32, #tpu.memory_space<hbm>>, %arg9: memref<4096xf32, #tpu.memory_space<hbm>>, %arg10: memref<4096xf32, #tpu.memory_space<hbm>>, %arg11: memref<8193xf32, #tpu.memory_space<hbm>>, %arg12: memref<16x4096xf32, #tpu.memory_space<hbm>>, %arg13: memref<16x4096xf32, #tpu.memory_space<hbm>>, %arg14: memref<16x4096xf32, #tpu.memory_space<hbm>>, %arg15: memref<16x4096xf32, #tpu.memory_space<hbm>>, %arg16: memref<10240xf32, #tpu.memory_space<vmem>>, %arg17: memref<10240xi32, #tpu.memory_space<vmem>>, %arg18: memref<10240xi32, #tpu.memory_space<vmem>>, %arg19: memref<4096xf32, #tpu.memory_space<vmem>>, %arg20: memref<4096xf32, #tpu.memory_space<vmem>>, %arg21: memref<4096xf32, #tpu.memory_space<vmem>>, %arg22: memref<4096xf32, #tpu.memory_space<vmem>>, %arg23: memref<4096xf32, #tpu.memory_space<vmem>>, %arg24: memref<4096xf32, #tpu.memory_space<vmem>>, %arg25: memref<!tpu.dma_semaphore, #tpu.memory_space<semaphore_mem>>) attributes {dimension_semantics = [#tpu.dimension_semantics<core_parallel>, #tpu.dimension_semantics<subcore_parallel>], iteration_bounds = array<i64: 2, 16>, scalar_prefetch = 0 : i64, scratch_operands = 10 : i64, tpu.core_type = #tpu.core_type<sc_vector_subcore>, window_params = [{transform_indices = #map}, {transform_indices = #map}, {transform_indices = #map}, {transform_indices = #map}, {transform_indices = #map}, {transform_indices = #map}, {transform_indices = #map}, {transform_indices = #map}, {transform_indices = #map}, {transform_indices = #map}, {transform_indices = #map1}, {transform_indices = #map1}, {transform_indices = #map1}, {transform_indices = #map1}]} {
    %mul3A = arith.constant 10240 : i32
    %mul3A_0 = arith.muli %arg1, %mul3A : i32
    %parallel_loop3A = arith.constant 0 : i32
    %parallel_loop3A_1 = arith.constant 4096 : i32
    %parallel_loop3A_2 = arith.constant 16 : i32
    scf.for %parallel_loop3A_9 = %parallel_loop3A to %parallel_loop3A_1 step %parallel_loop3A_2  : i32 {
      %parallel_loop3A_10 = arith.constant 0.000000e+00 : f32
      %parallel_loop3A_11 = vector.broadcast %parallel_loop3A_10 : f32 to vector<16xf32>
      %parallel_loop3A_12 = arith.index_cast %parallel_loop3A_9 : i32 to index
      %parallel_loop3A_13 = tpu.vector_load %arg23[%parallel_loop3A_12] {strides = array<i32>} : memref<4096xf32, #tpu.memory_space<vmem>>, vector<16xf32>,
      tpu.vector_store %arg23[%parallel_loop3A_12], %parallel_loop3A_11 {strides = array<i32>} : memref<4096xf32, #tpu.memory_space<vmem>>, vector<16xf32>,
      %parallel_loop3A_14 = arith.index_cast %parallel_loop3A_9 : i32 to index
      %parallel_loop3A_15 = tpu.vector_load %arg24[%parallel_loop3A_14] {strides = array<i32>} : memref<4096xf32, #tpu.memory_space<vmem>>, vector<16xf32>,
      tpu.vector_store %arg24[%parallel_loop3A_14], %parallel_loop3A_11 {strides = array<i32>} : memref<4096xf32, #tpu.memory_space<vmem>>, vector<16xf32>,
    } {sc.loop_unroll_factor = 4 : i64, sc.parallel_access}
    %eq3A = arith.constant 0 : i32
    %eq3A_3 = arith.cmpi eq, %arg0, %eq3A : i32
    %convert_element_type3A = arith.extui %eq3A_3 : i1 to i32
    %cond3A = arith.constant 0 : i32
    %cond3A_4 = arith.cmpi ne, %convert_element_type3A, %cond3A : i32
    scf.if %cond3A_4 {
      tpu.enqueue_dma source(%arg8 : memref<4096xf32, #tpu.memory_space<hbm>>) target(%arg19 : memref<4096xf32, #tpu.memory_space<vmem>>) target_semaphore(%arg25 : memref<!tpu.dma_semaphore, #tpu.memory_space<semaphore_mem>>)
      %dma_start3A = arith.constant 0 : i32
      %dma_start3A_9 = tpu.memref_slice %arg11[%dma_start3A] : memref<8193xf32, #tpu.memory_space<hbm>> -> memref<4096xf32, #tpu.memory_space<hbm>>
      %dma_start3A_10 = arith.constant 0 : i32
      %dma_start3A_11 = tpu.memref_slice %arg11[%dma_start3A_10] : memref<8193xf32, #tpu.memory_space<hbm>> -> memref<4096xf32, #tpu.memory_space<hbm>>
      tpu.enqueue_dma source(%dma_start3A_11 : memref<4096xf32, #tpu.memory_space<hbm>>) target(%arg20 : memref<4096xf32, #tpu.memory_space<vmem>>) target_semaphore(%arg25 : memref<!tpu.dma_semaphore, #tpu.memory_space<semaphore_mem>>)
      %dma_start3A_12 = arith.constant 0 : i32
      %dma_start3A_13 = tpu.memref_slice %arg16[%dma_start3A_12] : memref<10240xf32, #tpu.memory_space<vmem>> -> memref<5120xf32, #tpu.memory_space<vmem>>
      %dma_start3A_14 = tpu.memref_slice %arg2[%mul3A_0] : memref<163840xf32, #tpu.memory_space<hbm>> -> memref<5120xf32, #tpu.memory_space<hbm>>
      %dma_start3A_15 = arith.constant 0 : i32
      %dma_start3A_16 = tpu.memref_slice %arg16[%dma_start3A_15] : memref<10240xf32, #tpu.memory_space<vmem>> -> memref<5120xf32, #tpu.memory_space<vmem>>
      %dma_start3A_17 = tpu.memref_slice %arg2[%mul3A_0] : memref<163840xf32, #tpu.memory_space<hbm>> -> memref<5120xf32, #tpu.memory_space<hbm>>
      tpu.enqueue_dma source(%dma_start3A_17 : memref<5120xf32, #tpu.memory_space<hbm>>) target(%dma_start3A_16 : memref<5120xf32, #tpu.memory_space<vmem>>) target_semaphore(%arg25 : memref<!tpu.dma_semaphore, #tpu.memory_space<semaphore_mem>>)
      %dma_start3A_18 = arith.constant 0 : i32
      %dma_start3A_19 = tpu.memref_slice %arg17[%dma_start3A_18] : memref<10240xi32, #tpu.memory_space<vmem>> -> memref<5120xi32, #tpu.memory_space<vmem>>
      %dma_start3A_20 = tpu.memref_slice %arg3[%mul3A_0] : memref<163840xi32, #tpu.memory_space<hbm>> -> memref<5120xi32, #tpu.memory_space<hbm>>
      %dma_start3A_21 = arith.constant 0 : i32
      %dma_start3A_22 = tpu.memref_slice %arg17[%dma_start3A_21] : memref<10240xi32, #tpu.memory_space<vmem>> -> memref<5120xi32, #tpu.memory_space<vmem>>
      %dma_start3A_23 = tpu.memref_slice %arg3[%mul3A_0] : memref<163840xi32, #tpu.memory_space<hbm>> -> memref<5120xi32, #tpu.memory_space<hbm>>
      tpu.enqueue_dma source(%dma_start3A_23 : memref<5120xi32, #tpu.memory_space<hbm>>) target(%dma_start3A_22 : memref<5120xi32, #tpu.memory_space<vmem>>) target_semaphore(%arg25 : memref<!tpu.dma_semaphore, #tpu.memory_space<semaphore_mem>>)
      %dma_start3A_24 = arith.constant 0 : i32
      %dma_start3A_25 = tpu.memref_slice %arg18[%dma_start3A_24] : memref<10240xi32, #tpu.memory_space<vmem>> -> memref<5120xi32, #tpu.memory_space<vmem>>
      %dma_start3A_26 = tpu.memref_slice %arg4[%mul3A_0] : memref<163840xi32, #tpu.memory_space<hbm>> -> memref<5120xi32, #tpu.memory_space<hbm>>
      %dma_start3A_27 = arith.constant 0 : i32
      %dma_start3A_28 = tpu.memref_slice %arg18[%dma_start3A_27] : memref<10240xi32, #tpu.memory_space<vmem>> -> memref<5120xi32, #tpu.memory_space<vmem>>
      %dma_start3A_29 = tpu.memref_slice %arg4[%mul3A_0] : memref<163840xi32, #tpu.memory_space<hbm>> -> memref<5120xi32, #tpu.memory_space<hbm>>
      tpu.enqueue_dma source(%dma_start3A_29 : memref<5120xi32, #tpu.memory_space<hbm>>) target(%dma_start3A_28 : memref<5120xi32, #tpu.memory_space<vmem>>) target_semaphore(%arg25 : memref<!tpu.dma_semaphore, #tpu.memory_space<semaphore_mem>>)
      %add3A = arith.constant 5120 : i32
      %add3A_30 = arith.addi %mul3A_0, %add3A : i32
      %dma_start3A_31 = arith.constant 5120 : i32
      %dma_start3A_32 = tpu.memref_slice %arg16[%dma_start3A_31] : memref<10240xf32, #tpu.memory_space<vmem>> -> memref<5120xf32, #tpu.memory_space<vmem>>
      %dma_start3A_33 = tpu.memref_slice %arg2[%add3A_30] : memref<163840xf32, #tpu.memory_space<hbm>> -> memref<5120xf32, #tpu.memory_space<hbm>>
      %dma_start3A_34 = arith.constant 5120 : i32
      %dma_start3A_35 = tpu.memref_slice %arg16[%dma_start3A_34] : memref<10240xf32, #tpu.memory_space<vmem>> -> memref<5120xf32, #tpu.memory_space<vmem>>
      %dma_start3A_36 = tpu.memref_slice %arg2[%add3A_30] : memref<163840xf32, #tpu.memory_space<hbm>> -> memref<5120xf32, #tpu.memory_space<hbm>>
      tpu.enqueue_dma source(%dma_start3A_36 : memref<5120xf32, #tpu.memory_space<hbm>>) target(%dma_start3A_35 : memref<5120xf32, #tpu.memory_space<vmem>>) target_semaphore(%arg25 : memref<!tpu.dma_semaphore, #tpu.memory_space<semaphore_mem>>)
      %add3A_37 = arith.constant 5120 : i32
      %add3A_38 = arith.addi %mul3A_0, %add3A_37 : i32
      %dma_start3A_39 = arith.constant 5120 : i32
      %dma_start3A_40 = tpu.memref_slice %arg17[%dma_start3A_39] : memref<10240xi32, #tpu.memory_space<vmem>> -> memref<5120xi32, #tpu.memory_space<vmem>>
      %dma_start3A_41 = tpu.memref_slice %arg3[%add3A_38] : memref<163840xi32, #tpu.memory_space<hbm>> -> memref<5120xi32, #tpu.memory_space<hbm>>
      %dma_start3A_42 = arith.constant 5120 : i32
      %dma_start3A_43 = tpu.memref_slice %arg17[%dma_start3A_42] : memref<10240xi32, #tpu.memory_space<vmem>> -> memref<5120xi32, #tpu.memory_space<vmem>>
      %dma_start3A_44 = tpu.memref_slice %arg3[%add3A_38] : memref<163840xi32, #tpu.memory_space<hbm>> -> memref<5120xi32, #tpu.memory_space<hbm>>
      tpu.enqueue_dma source(%dma_start3A_44 : memref<5120xi32, #tpu.memory_space<hbm>>) target(%dma_start3A_43 : memref<5120xi32, #tpu.memory_space<vmem>>) target_semaphore(%arg25 : memref<!tpu.dma_semaphore, #tpu.memory_space<semaphore_mem>>)
      %add3A_45 = arith.constant 5120 : i32
      %add3A_46 = arith.addi %mul3A_0, %add3A_45 : i32
      %dma_start3A_47 = arith.constant 5120 : i32
      %dma_start3A_48 = tpu.memref_slice %arg18[%dma_start3A_47] : memref<10240xi32, #tpu.memory_space<vmem>> -> memref<5120xi32, #tpu.memory_space<vmem>>
      %dma_start3A_49 = tpu.memref_slice %arg4[%add3A_46] : memref<163840xi32, #tpu.memory_space<hbm>> -> memref<5120xi32, #tpu.memory_space<hbm>>
      %dma_start3A_50 = arith.constant 5120 : i32
      %dma_start3A_51 = tpu.memref_slice %arg18[%dma_start3A_50] : memref<10240xi32, #tpu.memory_space<vmem>> -> memref<5120xi32, #tpu.memory_space<vmem>>
      %dma_start3A_52 = tpu.memref_slice %arg4[%add3A_46] : memref<163840xi32, #tpu.memory_space<hbm>> -> memref<5120xi32, #tpu.memory_space<hbm>>
      tpu.enqueue_dma source(%dma_start3A_52 : memref<5120xi32, #tpu.memory_space<hbm>>) target(%dma_start3A_51 : memref<5120xi32, #tpu.memory_space<vmem>>) target_semaphore(%arg25 : memref<!tpu.dma_semaphore, #tpu.memory_space<semaphore_mem>>)
      tpu.wait_dma2 semaphore(%arg25 : memref<!tpu.dma_semaphore, #tpu.memory_space<semaphore_mem>>) src(%arg8 : memref<4096xf32, #tpu.memory_space<hbm>>) dst(%arg19 : memref<4096xf32, #tpu.memory_space<vmem>>)
      %dma_wait3A = arith.constant 0 : i32
      %dma_wait3A_53 = tpu.memref_slice %arg11[%dma_wait3A] : memref<8193xf32, #tpu.memory_space<hbm>> -> memref<4096xf32, #tpu.memory_space<hbm>>
      %dma_wait3A_54 = arith.constant 0 : i32
      %dma_wait3A_55 = tpu.memref_slice %arg11[%dma_wait3A_54] : memref<8193xf32, #tpu.memory_space<hbm>> -> memref<4096xf32, #tpu.memory_space<hbm>>
      tpu.wait_dma2 semaphore(%arg25 : memref<!tpu.dma_semaphore, #tpu.memory_space<semaphore_mem>>) src(%dma_wait3A_55 : memref<4096xf32, #tpu.memory_space<hbm>>) dst(%arg20 : memref<4096xf32, #tpu.memory_space<vmem>>)
      %dma_wait3A_56 = arith.constant 0 : i32
      %dma_wait3A_57 = tpu.memref_slice %arg16[%dma_wait3A_56] : memref<10240xf32, #tpu.memory_space<vmem>> -> memref<5120xf32, #tpu.memory_space<vmem>>
      %dma_wait3A_58 = tpu.memref_slice %arg2[%mul3A_0] : memref<163840xf32, #tpu.memory_space<hbm>> -> memref<5120xf32, #tpu.memory_space<hbm>>
      %dma_wait3A_59 = arith.constant 0 : i32
      %dma_wait3A_60 = tpu.memref_slice %arg16[%dma_wait3A_59] : memref<10240xf32, #tpu.memory_space<vmem>> -> memref<5120xf32, #tpu.memory_space<vmem>>
      %dma_wait3A_61 = tpu.memref_slice %arg2[%mul3A_0] : memref<163840xf32, #tpu.memory_space<hbm>> -> memref<5120xf32, #tpu.memory_space<hbm>>
      tpu.wait_dma2 semaphore(%arg25 : memref<!tpu.dma_semaphore, #tpu.memory_space<semaphore_mem>>) src(%dma_wait3A_61 : memref<5120xf32, #tpu.memory_space<hbm>>) dst(%dma_wait3A_60 : memref<5120xf32, #tpu.memory_space<vmem>>)
      %dma_wait3A_62 = arith.constant 0 : i32
      %dma_wait3A_63 = tpu.memref_slice %arg17[%dma_wait3A_62] : memref<10240xi32, #tpu.memory_space<vmem>> -> memref<5120xi32, #tpu.memory_space<vmem>>
      %dma_wait3A_64 = tpu.memref_slice %arg3[%mul3A_0] : memref<163840xi32, #tpu.memory_space<hbm>> -> memref<5120xi32, #tpu.memory_space<hbm>>
      %dma_wait3A_65 = arith.constant 0 : i32
      %dma_wait3A_66 = tpu.memref_slice %arg17[%dma_wait3A_65] : memref<10240xi32, #tpu.memory_space<vmem>> -> memref<5120xi32, #tpu.memory_space<vmem>>
      %dma_wait3A_67 = tpu.memref_slice %arg3[%mul3A_0] : memref<163840xi32, #tpu.memory_space<hbm>> -> memref<5120xi32, #tpu.memory_space<hbm>>
      tpu.wait_dma2 semaphore(%arg25 : memref<!tpu.dma_semaphore, #tpu.memory_space<semaphore_mem>>) src(%dma_wait3A_67 : memref<5120xi32, #tpu.memory_space<hbm>>) dst(%dma_wait3A_66 : memref<5120xi32, #tpu.memory_space<vmem>>)
      %dma_wait3A_68 = arith.constant 0 : i32
      %dma_wait3A_69 = tpu.memref_slice %arg18[%dma_wait3A_68] : memref<10240xi32, #tpu.memory_space<vmem>> -> memref<5120xi32, #tpu.memory_space<vmem>>
      %dma_wait3A_70 = tpu.memref_slice %arg4[%mul3A_0] : memref<163840xi32, #tpu.memory_space<hbm>> -> memref<5120xi32, #tpu.memory_space<hbm>>
      %dma_wait3A_71 = arith.constant 0 : i32
      %dma_wait3A_72 = tpu.memref_slice %arg18[%dma_wait3A_71] : memref<10240xi32, #tpu.memory_space<vmem>> -> memref<5120xi32, #tpu.memory_space<vmem>>
      %dma_wait3A_73 = tpu.memref_slice %arg4[%mul3A_0] : memref<163840xi32, #tpu.memory_space<hbm>> -> memref<5120xi32, #tpu.memory_space<hbm>>
      tpu.wait_dma2 semaphore(%arg25 : memref<!tpu.dma_semaphore, #tpu.memory_space<semaphore_mem>>) src(%dma_wait3A_73 : memref<5120xi32, #tpu.memory_space<hbm>>) dst(%dma_wait3A_72 : memref<5120xi32, #tpu.memory_space<vmem>>)
      %dma_wait3A_74 = arith.constant 5120 : i32
      %dma_wait3A_75 = tpu.memref_slice %arg16[%dma_wait3A_74] : memref<10240xf32, #tpu.memory_space<vmem>> -> memref<5120xf32, #tpu.memory_space<vmem>>
      %dma_wait3A_76 = tpu.memref_slice %arg2[%add3A_30] : memref<163840xf32, #tpu.memory_space<hbm>> -> memref<5120xf32, #tpu.memory_space<hbm>>
      %dma_wait3A_77 = arith.constant 5120 : i32
      %dma_wait3A_78 = tpu.memref_slice %arg16[%dma_wait3A_77] : memref<10240xf32, #tpu.memory_space<vmem>> -> memref<5120xf32, #tpu.memory_space<vmem>>
      %dma_wait3A_79 = tpu.memref_slice %arg2[%add3A_30] : memref<163840xf32, #tpu.memory_space<hbm>> -> memref<5120xf32, #tpu.memory_space<hbm>>
      tpu.wait_dma2 semaphore(%arg25 : memref<!tpu.dma_semaphore, #tpu.memory_space<semaphore_mem>>) src(%dma_wait3A_79 : memref<5120xf32, #tpu.memory_space<hbm>>) dst(%dma_wait3A_78 : memref<5120xf32, #tpu.memory_space<vmem>>)
      %dma_wait3A_80 = arith.constant 5120 : i32
      %dma_wait3A_81 = tpu.memref_slice %arg17[%dma_wait3A_80] : memref<10240xi32, #tpu.memory_space<vmem>> -> memref<5120xi32, #tpu.memory_space<vmem>>
      %dma_wait3A_82 = tpu.memref_slice %arg3[%add3A_38] : memref<163840xi32, #tpu.memory_space<hbm>> -> memref<5120xi32, #tpu.memory_space<hbm>>
      %dma_wait3A_83 = arith.constant 5120 : i32
      %dma_wait3A_84 = tpu.memref_slice %arg17[%dma_wait3A_83] : memref<10240xi32, #tpu.memory_space<vmem>> -> memref<5120xi32, #tpu.memory_space<vmem>>
      %dma_wait3A_85 = tpu.memref_slice %arg3[%add3A_38] : memref<163840xi32, #tpu.memory_space<hbm>> -> memref<5120xi32, #tpu.memory_space<hbm>>
      tpu.wait_dma2 semaphore(%arg25 : memref<!tpu.dma_semaphore, #tpu.memory_space<semaphore_mem>>) src(%dma_wait3A_85 : memref<5120xi32, #tpu.memory_space<hbm>>) dst(%dma_wait3A_84 : memref<5120xi32, #tpu.memory_space<vmem>>)
      %dma_wait3A_86 = arith.constant 5120 : i32
      %dma_wait3A_87 = tpu.memref_slice %arg18[%dma_wait3A_86] : memref<10240xi32, #tpu.memory_space<vmem>> -> memref<5120xi32, #tpu.memory_space<vmem>>
      %dma_wait3A_88 = tpu.memref_slice %arg4[%add3A_46] : memref<163840xi32, #tpu.memory_space<hbm>> -> memref<5120xi32, #tpu.memory_space<hbm>>
      %dma_wait3A_89 = arith.constant 5120 : i32
      %dma_wait3A_90 = tpu.memref_slice %arg18[%dma_wait3A_89] : memref<10240xi32, #tpu.memory_space<vmem>> -> memref<5120xi32, #tpu.memory_space<vmem>>
      %dma_wait3A_91 = tpu.memref_slice %arg4[%add3A_46] : memref<163840xi32, #tpu.memory_space<hbm>> -> memref<5120xi32, #tpu.memory_space<hbm>>
      tpu.wait_dma2 semaphore(%arg25 : memref<!tpu.dma_semaphore, #tpu.memory_space<semaphore_mem>>) src(%dma_wait3A_91 : memref<5120xi32, #tpu.memory_space<hbm>>) dst(%dma_wait3A_90 : memref<5120xi32, #tpu.memory_space<vmem>>)
      %parallel_loop3A_92 = arith.constant 0 : i32
      %parallel_loop3A_93 = arith.constant 10240 : i32
      %parallel_loop3A_94 = arith.constant 16 : i32
      scf.for %parallel_loop3A_95 = %parallel_loop3A_92 to %parallel_loop3A_93 step %parallel_loop3A_94  : i32 {
        %parallel_loop3A_96 = arith.index_cast %parallel_loop3A_95 : i32 to index
        %parallel_loop3A_97 = tpu.vector_load %arg16[%parallel_loop3A_96] {strides = array<i32>} : memref<10240xf32, #tpu.memory_space<vmem>>, vector<16xf32>,
        %parallel_loop3A_98 = arith.index_cast %parallel_loop3A_95 : i32 to index
        %parallel_loop3A_99 = tpu.vector_load %arg17[%parallel_loop3A_98] {strides = array<i32>} : memref<10240xi32, #tpu.memory_space<vmem>>, vector<16xi32>,
        %parallel_loop3A_100 = arith.index_cast %parallel_loop3A_95 : i32 to index
        %parallel_loop3A_101 = tpu.vector_load %arg18[%parallel_loop3A_100] {strides = array<i32>} : memref<10240xi32, #tpu.memory_space<vmem>>, vector<16xi32>,
        %parallel_loop3A_102 = tpu.vector_load_idx %arg19[%parallel_loop3A_101] : memref<4096xf32, #tpu.memory_space<vmem>>[vector<16xi32>], vector<16xf32>,
        %parallel_loop3A_103 = arith.mulf %parallel_loop3A_97, %parallel_loop3A_102 : vector<16xf32>
        tpu.vector_store_idx %arg23[%parallel_loop3A_99], %parallel_loop3A_103 {add = true} : memref<4096xf32, #tpu.memory_space<vmem>>[vector<16xi32>], vector<16xf32>,
        %parallel_loop3A_104 = tpu.vector_load_idx %arg20[%parallel_loop3A_101] : memref<4096xf32, #tpu.memory_space<vmem>>[vector<16xi32>], vector<16xf32>,
        %parallel_loop3A_105 = arith.mulf %parallel_loop3A_97, %parallel_loop3A_104 : vector<16xf32>
        tpu.vector_store_idx %arg24[%parallel_loop3A_99], %parallel_loop3A_105 {add = true} : memref<4096xf32, #tpu.memory_space<vmem>>[vector<16xi32>], vector<16xf32>,
      } {sc.loop_unroll_factor = 4 : i64, sc.parallel_access}
      "tpu.region"() ({
        %run_scoped3A = tpu.sem_alloc : memref<!tpu.dma_semaphore, #tpu.memory_space<semaphore_mem>>
        %dma_start3A_95 = arith.constant 0 : i32
        %dma_start3A_96 = tpu.memref_slice %arg12[%arg1, %dma_start3A_95] : memref<16x4096xf32, #tpu.memory_space<hbm>> -> memref<1x4096xf32, #tpu.memory_space<hbm>>
        %dma_start3A_97 = tpu.memref_squeeze %dma_start3A_96 : memref<1x4096xf32, #tpu.memory_space<hbm>> -> memref<4096xf32, #tpu.memory_space<hbm>>
        %dma_start3A_98 = arith.constant 0 : i32
        %dma_start3A_99 = tpu.memref_slice %arg12[%arg1, %dma_start3A_98] : memref<16x4096xf32, #tpu.memory_space<hbm>> -> memref<1x4096xf32, #tpu.memory_space<hbm>>
        %dma_start3A_100 = tpu.memref_squeeze %dma_start3A_99 : memref<1x4096xf32, #tpu.memory_space<hbm>> -> memref<4096xf32, #tpu.memory_space<hbm>>
        tpu.enqueue_dma source(%arg23 : memref<4096xf32, #tpu.memory_space<vmem>>) target(%dma_start3A_100 : memref<4096xf32, #tpu.memory_space<hbm>>) target_semaphore(%run_scoped3A : memref<!tpu.dma_semaphore, #tpu.memory_space<semaphore_mem>>)
        %dma_wait3A_101 = arith.constant 0 : i32
        %dma_wait3A_102 = tpu.memref_slice %arg12[%arg1, %dma_wait3A_101] : memref<16x4096xf32, #tpu.memory_space<hbm>> -> memref<1x4096xf32, #tpu.memory_space<hbm>>
        %dma_wait3A_103 = tpu.memref_squeeze %dma_wait3A_102 : memref<1x4096xf32, #tpu.memory_space<hbm>> -> memref<4096xf32, #tpu.memory_space<hbm>>
        %dma_wait3A_104 = arith.constant 0 : i32
        %dma_wait3A_105 = tpu.memref_slice %arg12[%arg1, %dma_wait3A_104] : memref<16x4096xf32, #tpu.memory_space<hbm>> -> memref<1x4096xf32, #tpu.memory_space<hbm>>
        %dma_wait3A_106 = tpu.memref_squeeze %dma_wait3A_105 : memref<1x4096xf32, #tpu.memory_space<hbm>> -> memref<4096xf32, #tpu.memory_space<hbm>>
        tpu.wait_dma2 semaphore(%run_scoped3A : memref<!tpu.dma_semaphore, #tpu.memory_space<semaphore_mem>>) src(%arg23 : memref<4096xf32, #tpu.memory_space<vmem>>) dst(%dma_wait3A_106 : memref<4096xf32, #tpu.memory_space<hbm>>)
        tpu.yield
      }) : () -> ()
      "tpu.region"() ({
        %run_scoped3A = tpu.sem_alloc : memref<!tpu.dma_semaphore, #tpu.memory_space<semaphore_mem>>
        %dma_start3A_95 = arith.constant 0 : i32
        %dma_start3A_96 = tpu.memref_slice %arg13[%arg1, %dma_start3A_95] : memref<16x4096xf32, #tpu.memory_space<hbm>> -> memref<1x4096xf32, #tpu.memory_space<hbm>>
        %dma_start3A_97 = tpu.memref_squeeze %dma_start3A_96 : memref<1x4096xf32, #tpu.memory_space<hbm>> -> memref<4096xf32, #tpu.memory_space<hbm>>
        %dma_start3A_98 = arith.constant 0 : i32
        %dma_start3A_99 = tpu.memref_slice %arg13[%arg1, %dma_start3A_98] : memref<16x4096xf32, #tpu.memory_space<hbm>> -> memref<1x4096xf32, #tpu.memory_space<hbm>>
        %dma_start3A_100 = tpu.memref_squeeze %dma_start3A_99 : memref<1x4096xf32, #tpu.memory_space<hbm>> -> memref<4096xf32, #tpu.memory_space<hbm>>
        tpu.enqueue_dma source(%arg24 : memref<4096xf32, #tpu.memory_space<vmem>>) target(%dma_start3A_100 : memref<4096xf32, #tpu.memory_space<hbm>>) target_semaphore(%run_scoped3A : memref<!tpu.dma_semaphore, #tpu.memory_space<semaphore_mem>>)
        %dma_wait3A_101 = arith.constant 0 : i32
        %dma_wait3A_102 = tpu.memref_slice %arg13[%arg1, %dma_wait3A_101] : memref<16x4096xf32, #tpu.memory_space<hbm>> -> memref<1x4096xf32, #tpu.memory_space<hbm>>
        %dma_wait3A_103 = tpu.memref_squeeze %dma_wait3A_102 : memref<1x4096xf32, #tpu.memory_space<hbm>> -> memref<4096xf32, #tpu.memory_space<hbm>>
        %dma_wait3A_104 = arith.constant 0 : i32
        %dma_wait3A_105 = tpu.memref_slice %arg13[%arg1, %dma_wait3A_104] : memref<16x4096xf32, #tpu.memory_space<hbm>> -> memref<1x4096xf32, #tpu.memory_space<hbm>>
        %dma_wait3A_106 = tpu.memref_squeeze %dma_wait3A_105 : memref<1x4096xf32, #tpu.memory_space<hbm>> -> memref<4096xf32, #tpu.memory_space<hbm>>
        tpu.wait_dma2 semaphore(%run_scoped3A : memref<!tpu.dma_semaphore, #tpu.memory_space<semaphore_mem>>) src(%arg24 : memref<4096xf32, #tpu.memory_space<vmem>>) dst(%dma_wait3A_106 : memref<4096xf32, #tpu.memory_space<hbm>>)
        tpu.yield
      }) : () -> ()
    } else {
    }
    %ne3A = arith.constant 0 : i32
    %ne3A_5 = arith.cmpi ne, %arg0, %ne3A : i32
    %convert_element_type3A_6 = arith.extui %ne3A_5 : i1 to i32
    %cond3A_7 = arith.constant 0 : i32
    %cond3A_8 = arith.cmpi ne, %convert_element_type3A_6, %cond3A_7 : i32
    scf.if %cond3A_8 {
      tpu.enqueue_dma source(%arg9 : memref<4096xf32, #tpu.memory_space<hbm>>) target(%arg21 : memref<4096xf32, #tpu.memory_space<vmem>>) target_semaphore(%arg25 : memref<!tpu.dma_semaphore, #tpu.memory_space<semaphore_mem>>)
      tpu.enqueue_dma source(%arg10 : memref<4096xf32, #tpu.memory_space<hbm>>) target(%arg22 : memref<4096xf32, #tpu.memory_space<vmem>>) target_semaphore(%arg25 : memref<!tpu.dma_semaphore, #tpu.memory_space<semaphore_mem>>)
      %dma_start3A = arith.constant 4096 : i32
      %dma_start3A_9 = tpu.memref_slice %arg11[%dma_start3A] : memref<8193xf32, #tpu.memory_space<hbm>> -> memref<4096xf32, #tpu.memory_space<hbm>>
      %dma_start3A_10 = arith.constant 4096 : i32
      %dma_start3A_11 = tpu.memref_slice %arg11[%dma_start3A_10] : memref<8193xf32, #tpu.memory_space<hbm>> -> memref<4096xf32, #tpu.memory_space<hbm>>
      tpu.enqueue_dma source(%dma_start3A_11 : memref<4096xf32, #tpu.memory_space<hbm>>) target(%arg19 : memref<4096xf32, #tpu.memory_space<vmem>>) target_semaphore(%arg25 : memref<!tpu.dma_semaphore, #tpu.memory_space<semaphore_mem>>)
      %dma_start3A_12 = arith.constant 0 : i32
      %dma_start3A_13 = tpu.memref_slice %arg11[%dma_start3A_12] : memref<8193xf32, #tpu.memory_space<hbm>> -> memref<4096xf32, #tpu.memory_space<hbm>>
      %dma_start3A_14 = arith.constant 0 : i32
      %dma_start3A_15 = tpu.memref_slice %arg11[%dma_start3A_14] : memref<8193xf32, #tpu.memory_space<hbm>> -> memref<4096xf32, #tpu.memory_space<hbm>>
      tpu.enqueue_dma source(%dma_start3A_15 : memref<4096xf32, #tpu.memory_space<hbm>>) target(%arg20 : memref<4096xf32, #tpu.memory_space<vmem>>) target_semaphore(%arg25 : memref<!tpu.dma_semaphore, #tpu.memory_space<semaphore_mem>>)
      %dma_start3A_16 = arith.constant 0 : i32
      %dma_start3A_17 = tpu.memref_slice %arg16[%dma_start3A_16] : memref<10240xf32, #tpu.memory_space<vmem>> -> memref<5120xf32, #tpu.memory_space<vmem>>
      %dma_start3A_18 = tpu.memref_slice %arg5[%mul3A_0] : memref<163840xf32, #tpu.memory_space<hbm>> -> memref<5120xf32, #tpu.memory_space<hbm>>
      %dma_start3A_19 = arith.constant 0 : i32
      %dma_start3A_20 = tpu.memref_slice %arg16[%dma_start3A_19] : memref<10240xf32, #tpu.memory_space<vmem>> -> memref<5120xf32, #tpu.memory_space<vmem>>
      %dma_start3A_21 = tpu.memref_slice %arg5[%mul3A_0] : memref<163840xf32, #tpu.memory_space<hbm>> -> memref<5120xf32, #tpu.memory_space<hbm>>
      tpu.enqueue_dma source(%dma_start3A_21 : memref<5120xf32, #tpu.memory_space<hbm>>) target(%dma_start3A_20 : memref<5120xf32, #tpu.memory_space<vmem>>) target_semaphore(%arg25 : memref<!tpu.dma_semaphore, #tpu.memory_space<semaphore_mem>>)
      %dma_start3A_22 = arith.constant 0 : i32
      %dma_start3A_23 = tpu.memref_slice %arg17[%dma_start3A_22] : memref<10240xi32, #tpu.memory_space<vmem>> -> memref<5120xi32, #tpu.memory_space<vmem>>
      %dma_start3A_24 = tpu.memref_slice %arg6[%mul3A_0] : memref<163840xi32, #tpu.memory_space<hbm>> -> memref<5120xi32, #tpu.memory_space<hbm>>
      %dma_start3A_25 = arith.constant 0 : i32
      %dma_start3A_26 = tpu.memref_slice %arg17[%dma_start3A_25] : memref<10240xi32, #tpu.memory_space<vmem>> -> memref<5120xi32, #tpu.memory_space<vmem>>
      %dma_start3A_27 = tpu.memref_slice %arg6[%mul3A_0] : memref<163840xi32, #tpu.memory_space<hbm>> -> memref<5120xi32, #tpu.memory_space<hbm>>
      tpu.enqueue_dma source(%dma_start3A_27 : memref<5120xi32, #tpu.memory_space<hbm>>) target(%dma_start3A_26 : memref<5120xi32, #tpu.memory_space<vmem>>) target_semaphore(%arg25 : memref<!tpu.dma_semaphore, #tpu.memory_space<semaphore_mem>>)
      %dma_start3A_28 = arith.constant 0 : i32
      %dma_start3A_29 = tpu.memref_slice %arg18[%dma_start3A_28] : memref<10240xi32, #tpu.memory_space<vmem>> -> memref<5120xi32, #tpu.memory_space<vmem>>
      %dma_start3A_30 = tpu.memref_slice %arg7[%mul3A_0] : memref<163840xi32, #tpu.memory_space<hbm>> -> memref<5120xi32, #tpu.memory_space<hbm>>
      %dma_start3A_31 = arith.constant 0 : i32
      %dma_start3A_32 = tpu.memref_slice %arg18[%dma_start3A_31] : memref<10240xi32, #tpu.memory_space<vmem>> -> memref<5120xi32, #tpu.memory_space<vmem>>
      %dma_start3A_33 = tpu.memref_slice %arg7[%mul3A_0] : memref<163840xi32, #tpu.memory_space<hbm>> -> memref<5120xi32, #tpu.memory_space<hbm>>
      tpu.enqueue_dma source(%dma_start3A_33 : memref<5120xi32, #tpu.memory_space<hbm>>) target(%dma_start3A_32 : memref<5120xi32, #tpu.memory_space<vmem>>) target_semaphore(%arg25 : memref<!tpu.dma_semaphore, #tpu.memory_space<semaphore_mem>>)
      %add3A = arith.constant 5120 : i32
      %add3A_34 = arith.addi %mul3A_0, %add3A : i32
      %dma_start3A_35 = arith.constant 5120 : i32
      %dma_start3A_36 = tpu.memref_slice %arg16[%dma_start3A_35] : memref<10240xf32, #tpu.memory_space<vmem>> -> memref<5120xf32, #tpu.memory_space<vmem>>
      %dma_start3A_37 = tpu.memref_slice %arg5[%add3A_34] : memref<163840xf32, #tpu.memory_space<hbm>> -> memref<5120xf32, #tpu.memory_space<hbm>>
      %dma_start3A_38 = arith.constant 5120 : i32
      %dma_start3A_39 = tpu.memref_slice %arg16[%dma_start3A_38] : memref<10240xf32, #tpu.memory_space<vmem>> -> memref<5120xf32, #tpu.memory_space<vmem>>
      %dma_start3A_40 = tpu.memref_slice %arg5[%add3A_34] : memref<163840xf32, #tpu.memory_space<hbm>> -> memref<5120xf32, #tpu.memory_space<hbm>>
      tpu.enqueue_dma source(%dma_start3A_40 : memref<5120xf32, #tpu.memory_space<hbm>>) target(%dma_start3A_39 : memref<5120xf32, #tpu.memory_space<vmem>>) target_semaphore(%arg25 : memref<!tpu.dma_semaphore, #tpu.memory_space<semaphore_mem>>)
      %add3A_41 = arith.constant 5120 : i32
      %add3A_42 = arith.addi %mul3A_0, %add3A_41 : i32
      %dma_start3A_43 = arith.constant 5120 : i32
      %dma_start3A_44 = tpu.memref_slice %arg17[%dma_start3A_43] : memref<10240xi32, #tpu.memory_space<vmem>> -> memref<5120xi32, #tpu.memory_space<vmem>>
      %dma_start3A_45 = tpu.memref_slice %arg6[%add3A_42] : memref<163840xi32, #tpu.memory_space<hbm>> -> memref<5120xi32, #tpu.memory_space<hbm>>
      %dma_start3A_46 = arith.constant 5120 : i32
      %dma_start3A_47 = tpu.memref_slice %arg17[%dma_start3A_46] : memref<10240xi32, #tpu.memory_space<vmem>> -> memref<5120xi32, #tpu.memory_space<vmem>>
      %dma_start3A_48 = tpu.memref_slice %arg6[%add3A_42] : memref<163840xi32, #tpu.memory_space<hbm>> -> memref<5120xi32, #tpu.memory_space<hbm>>
      tpu.enqueue_dma source(%dma_start3A_48 : memref<5120xi32, #tpu.memory_space<hbm>>) target(%dma_start3A_47 : memref<5120xi32, #tpu.memory_space<vmem>>) target_semaphore(%arg25 : memref<!tpu.dma_semaphore, #tpu.memory_space<semaphore_mem>>)
      %add3A_49 = arith.constant 5120 : i32
      %add3A_50 = arith.addi %mul3A_0, %add3A_49 : i32
      %dma_start3A_51 = arith.constant 5120 : i32
      %dma_start3A_52 = tpu.memref_slice %arg18[%dma_start3A_51] : memref<10240xi32, #tpu.memory_space<vmem>> -> memref<5120xi32, #tpu.memory_space<vmem>>
      %dma_start3A_53 = tpu.memref_slice %arg7[%add3A_50] : memref<163840xi32, #tpu.memory_space<hbm>> -> memref<5120xi32, #tpu.memory_space<hbm>>
      %dma_start3A_54 = arith.constant 5120 : i32
      %dma_start3A_55 = tpu.memref_slice %arg18[%dma_start3A_54] : memref<10240xi32, #tpu.memory_space<vmem>> -> memref<5120xi32, #tpu.memory_space<vmem>>
      %dma_start3A_56 = tpu.memref_slice %arg7[%add3A_50] : memref<163840xi32, #tpu.memory_space<hbm>> -> memref<5120xi32, #tpu.memory_space<hbm>>
      tpu.enqueue_dma source(%dma_start3A_56 : memref<5120xi32, #tpu.memory_space<hbm>>) target(%dma_start3A_55 : memref<5120xi32, #tpu.memory_space<vmem>>) target_semaphore(%arg25 : memref<!tpu.dma_semaphore, #tpu.memory_space<semaphore_mem>>)
      tpu.wait_dma2 semaphore(%arg25 : memref<!tpu.dma_semaphore, #tpu.memory_space<semaphore_mem>>) src(%arg9 : memref<4096xf32, #tpu.memory_space<hbm>>) dst(%arg21 : memref<4096xf32, #tpu.memory_space<vmem>>)
      tpu.wait_dma2 semaphore(%arg25 : memref<!tpu.dma_semaphore, #tpu.memory_space<semaphore_mem>>) src(%arg10 : memref<4096xf32, #tpu.memory_space<hbm>>) dst(%arg22 : memref<4096xf32, #tpu.memory_space<vmem>>)
      %dma_wait3A = arith.constant 4096 : i32
      %dma_wait3A_57 = tpu.memref_slice %arg11[%dma_wait3A] : memref<8193xf32, #tpu.memory_space<hbm>> -> memref<4096xf32, #tpu.memory_space<hbm>>
      %dma_wait3A_58 = arith.constant 4096 : i32
      %dma_wait3A_59 = tpu.memref_slice %arg11[%dma_wait3A_58] : memref<8193xf32, #tpu.memory_space<hbm>> -> memref<4096xf32, #tpu.memory_space<hbm>>
      tpu.wait_dma2 semaphore(%arg25 : memref<!tpu.dma_semaphore, #tpu.memory_space<semaphore_mem>>) src(%dma_wait3A_59 : memref<4096xf32, #tpu.memory_space<hbm>>) dst(%arg19 : memref<4096xf32, #tpu.memory_space<vmem>>)
      %dma_wait3A_60 = arith.constant 0 : i32
      %dma_wait3A_61 = tpu.memref_slice %arg11[%dma_wait3A_60] : memref<8193xf32, #tpu.memory_space<hbm>> -> memref<4096xf32, #tpu.memory_space<hbm>>
      %dma_wait3A_62 = arith.constant 0 : i32
      %dma_wait3A_63 = tpu.memref_slice %arg11[%dma_wait3A_62] : memref<8193xf32, #tpu.memory_space<hbm>> -> memref<4096xf32, #tpu.memory_space<hbm>>
      tpu.wait_dma2 semaphore(%arg25 : memref<!tpu.dma_semaphore, #tpu.memory_space<semaphore_mem>>) src(%dma_wait3A_63 : memref<4096xf32, #tpu.memory_space<hbm>>) dst(%arg20 : memref<4096xf32, #tpu.memory_space<vmem>>)
      %dma_wait3A_64 = arith.constant 0 : i32
      %dma_wait3A_65 = tpu.memref_slice %arg16[%dma_wait3A_64] : memref<10240xf32, #tpu.memory_space<vmem>> -> memref<5120xf32, #tpu.memory_space<vmem>>
      %dma_wait3A_66 = tpu.memref_slice %arg5[%mul3A_0] : memref<163840xf32, #tpu.memory_space<hbm>> -> memref<5120xf32, #tpu.memory_space<hbm>>
      %dma_wait3A_67 = arith.constant 0 : i32
      %dma_wait3A_68 = tpu.memref_slice %arg16[%dma_wait3A_67] : memref<10240xf32, #tpu.memory_space<vmem>> -> memref<5120xf32, #tpu.memory_space<vmem>>
      %dma_wait3A_69 = tpu.memref_slice %arg5[%mul3A_0] : memref<163840xf32, #tpu.memory_space<hbm>> -> memref<5120xf32, #tpu.memory_space<hbm>>
      tpu.wait_dma2 semaphore(%arg25 : memref<!tpu.dma_semaphore, #tpu.memory_space<semaphore_mem>>) src(%dma_wait3A_69 : memref<5120xf32, #tpu.memory_space<hbm>>) dst(%dma_wait3A_68 : memref<5120xf32, #tpu.memory_space<vmem>>)
      %dma_wait3A_70 = arith.constant 0 : i32
      %dma_wait3A_71 = tpu.memref_slice %arg17[%dma_wait3A_70] : memref<10240xi32, #tpu.memory_space<vmem>> -> memref<5120xi32, #tpu.memory_space<vmem>>
      %dma_wait3A_72 = tpu.memref_slice %arg6[%mul3A_0] : memref<163840xi32, #tpu.memory_space<hbm>> -> memref<5120xi32, #tpu.memory_space<hbm>>
      %dma_wait3A_73 = arith.constant 0 : i32
      %dma_wait3A_74 = tpu.memref_slice %arg17[%dma_wait3A_73] : memref<10240xi32, #tpu.memory_space<vmem>> -> memref<5120xi32, #tpu.memory_space<vmem>>
      %dma_wait3A_75 = tpu.memref_slice %arg6[%mul3A_0] : memref<163840xi32, #tpu.memory_space<hbm>> -> memref<5120xi32, #tpu.memory_space<hbm>>
      tpu.wait_dma2 semaphore(%arg25 : memref<!tpu.dma_semaphore, #tpu.memory_space<semaphore_mem>>) src(%dma_wait3A_75 : memref<5120xi32, #tpu.memory_space<hbm>>) dst(%dma_wait3A_74 : memref<5120xi32, #tpu.memory_space<vmem>>)
      %dma_wait3A_76 = arith.constant 0 : i32
      %dma_wait3A_77 = tpu.memref_slice %arg18[%dma_wait3A_76] : memref<10240xi32, #tpu.memory_space<vmem>> -> memref<5120xi32, #tpu.memory_space<vmem>>
      %dma_wait3A_78 = tpu.memref_slice %arg7[%mul3A_0] : memref<163840xi32, #tpu.memory_space<hbm>> -> memref<5120xi32, #tpu.memory_space<hbm>>
      %dma_wait3A_79 = arith.constant 0 : i32
      %dma_wait3A_80 = tpu.memref_slice %arg18[%dma_wait3A_79] : memref<10240xi32, #tpu.memory_space<vmem>> -> memref<5120xi32, #tpu.memory_space<vmem>>
      %dma_wait3A_81 = tpu.memref_slice %arg7[%mul3A_0] : memref<163840xi32, #tpu.memory_space<hbm>> -> memref<5120xi32, #tpu.memory_space<hbm>>
      tpu.wait_dma2 semaphore(%arg25 : memref<!tpu.dma_semaphore, #tpu.memory_space<semaphore_mem>>) src(%dma_wait3A_81 : memref<5120xi32, #tpu.memory_space<hbm>>) dst(%dma_wait3A_80 : memref<5120xi32, #tpu.memory_space<vmem>>)
      %parallel_loop3A_82 = arith.constant 0 : i32
      %parallel_loop3A_83 = arith.constant 4096 : i32
      %parallel_loop3A_84 = arith.constant 16 : i32
      scf.for %parallel_loop3A_106 = %parallel_loop3A_82 to %parallel_loop3A_83 step %parallel_loop3A_84  : i32 {
        %parallel_loop3A_107 = arith.index_cast %parallel_loop3A_106 : i32 to index
        %parallel_loop3A_108 = tpu.vector_load %arg21[%parallel_loop3A_107] {strides = array<i32>} : memref<4096xf32, #tpu.memory_space<vmem>>, vector<16xf32>,
        %parallel_loop3A_109 = arith.index_cast %parallel_loop3A_106 : i32 to index
        %parallel_loop3A_110 = tpu.vector_load %arg22[%parallel_loop3A_109] {strides = array<i32>} : memref<4096xf32, #tpu.memory_space<vmem>>, vector<16xf32>,
        %parallel_loop3A_111 = arith.subf %parallel_loop3A_108, %parallel_loop3A_110 : vector<16xf32>
        %parallel_loop3A_112 = arith.constant 0.000000e+00 : f32
        %parallel_loop3A_113 = vector.broadcast %parallel_loop3A_112 : f32 to vector<16xf32>
        %parallel_loop3A_114 = arith.cmpf ogt, %parallel_loop3A_111, %parallel_loop3A_113 : vector<16xf32>
        %parallel_loop3A_115 = arith.index_cast %parallel_loop3A_106 : i32 to index
        %parallel_loop3A_116 = tpu.vector_load %arg19[%parallel_loop3A_115] {strides = array<i32>} : memref<4096xf32, #tpu.memory_space<vmem>>, vector<16xf32>,
        %parallel_loop3A_117 = arith.constant 0.000000e+00 : f32
        %parallel_loop3A_118 = vector.broadcast %parallel_loop3A_117 : f32 to vector<16xf32>
        %parallel_loop3A_119 = arith.select %parallel_loop3A_114, %parallel_loop3A_116, %parallel_loop3A_118 : vector<16xi1>, vector<16xf32>
        %parallel_loop3A_120 = arith.index_cast %parallel_loop3A_106 : i32 to index
        %parallel_loop3A_121 = tpu.vector_load %arg19[%parallel_loop3A_120] {strides = array<i32>} : memref<4096xf32, #tpu.memory_space<vmem>>, vector<16xf32>,
        tpu.vector_store %arg19[%parallel_loop3A_120], %parallel_loop3A_119 {strides = array<i32>} : memref<4096xf32, #tpu.memory_space<vmem>>, vector<16xf32>,
      } {sc.loop_unroll_factor = 4 : i64, sc.parallel_access}
      %dma_wait3A_85 = arith.constant 5120 : i32
      %dma_wait3A_86 = tpu.memref_slice %arg16[%dma_wait3A_85] : memref<10240xf32, #tpu.memory_space<vmem>> -> memref<5120xf32, #tpu.memory_space<vmem>>
      %dma_wait3A_87 = tpu.memref_slice %arg5[%add3A_34] : memref<163840xf32, #tpu.memory_space<hbm>> -> memref<5120xf32, #tpu.memory_space<hbm>>
      %dma_wait3A_88 = arith.constant 5120 : i32
      %dma_wait3A_89 = tpu.memref_slice %arg16[%dma_wait3A_88] : memref<10240xf32, #tpu.memory_space<vmem>> -> memref<5120xf32, #tpu.memory_space<vmem>>
      %dma_wait3A_90 = tpu.memref_slice %arg5[%add3A_34] : memref<163840xf32, #tpu.memory_space<hbm>> -> memref<5120xf32, #tpu.memory_space<hbm>>
      tpu.wait_dma2 semaphore(%arg25 : memref<!tpu.dma_semaphore, #tpu.memory_space<semaphore_mem>>) src(%dma_wait3A_90 : memref<5120xf32, #tpu.memory_space<hbm>>) dst(%dma_wait3A_89 : memref<5120xf32, #tpu.memory_space<vmem>>)
      %dma_wait3A_91 = arith.constant 5120 : i32
      %dma_wait3A_92 = tpu.memref_slice %arg17[%dma_wait3A_91] : memref<10240xi32, #tpu.memory_space<vmem>> -> memref<5120xi32, #tpu.memory_space<vmem>>
      %dma_wait3A_93 = tpu.memref_slice %arg6[%add3A_42] : memref<163840xi32, #tpu.memory_space<hbm>> -> memref<5120xi32, #tpu.memory_space<hbm>>
      %dma_wait3A_94 = arith.constant 5120 : i32
      %dma_wait3A_95 = tpu.memref_slice %arg17[%dma_wait3A_94] : memref<10240xi32, #tpu.memory_space<vmem>> -> memref<5120xi32, #tpu.memory_space<vmem>>
      %dma_wait3A_96 = tpu.memref_slice %arg6[%add3A_42] : memref<163840xi32, #tpu.memory_space<hbm>> -> memref<5120xi32, #tpu.memory_space<hbm>>
      tpu.wait_dma2 semaphore(%arg25 : memref<!tpu.dma_semaphore, #tpu.memory_space<semaphore_mem>>) src(%dma_wait3A_96 : memref<5120xi32, #tpu.memory_space<hbm>>) dst(%dma_wait3A_95 : memref<5120xi32, #tpu.memory_space<vmem>>)
      %dma_wait3A_97 = arith.constant 5120 : i32
      %dma_wait3A_98 = tpu.memref_slice %arg18[%dma_wait3A_97] : memref<10240xi32, #tpu.memory_space<vmem>> -> memref<5120xi32, #tpu.memory_space<vmem>>
      %dma_wait3A_99 = tpu.memref_slice %arg7[%add3A_50] : memref<163840xi32, #tpu.memory_space<hbm>> -> memref<5120xi32, #tpu.memory_space<hbm>>
      %dma_wait3A_100 = arith.constant 5120 : i32
      %dma_wait3A_101 = tpu.memref_slice %arg18[%dma_wait3A_100] : memref<10240xi32, #tpu.memory_space<vmem>> -> memref<5120xi32, #tpu.memory_space<vmem>>
      %dma_wait3A_102 = tpu.memref_slice %arg7[%add3A_50] : memref<163840xi32, #tpu.memory_space<hbm>> -> memref<5120xi32, #tpu.memory_space<hbm>>
      tpu.wait_dma2 semaphore(%arg25 : memref<!tpu.dma_semaphore, #tpu.memory_space<semaphore_mem>>) src(%dma_wait3A_102 : memref<5120xi32, #tpu.memory_space<hbm>>) dst(%dma_wait3A_101 : memref<5120xi32, #tpu.memory_space<vmem>>)
      %parallel_loop3A_103 = arith.constant 0 : i32
      %parallel_loop3A_104 = arith.constant 10240 : i32
      %parallel_loop3A_105 = arith.constant 16 : i32
      scf.for %parallel_loop3A_106 = %parallel_loop3A_103 to %parallel_loop3A_104 step %parallel_loop3A_105  : i32 {
        %parallel_loop3A_107 = arith.index_cast %parallel_loop3A_106 : i32 to index
        %parallel_loop3A_108 = tpu.vector_load %arg16[%parallel_loop3A_107] {strides = array<i32>} : memref<10240xf32, #tpu.memory_space<vmem>>, vector<16xf32>,
        %parallel_loop3A_109 = arith.index_cast %parallel_loop3A_106 : i32 to index
        %parallel_loop3A_110 = tpu.vector_load %arg17[%parallel_loop3A_109] {strides = array<i32>} : memref<10240xi32, #tpu.memory_space<vmem>>, vector<16xi32>,
        %parallel_loop3A_111 = arith.index_cast %parallel_loop3A_106 : i32 to index
        %parallel_loop3A_112 = tpu.vector_load %arg18[%parallel_loop3A_111] {strides = array<i32>} : memref<10240xi32, #tpu.memory_space<vmem>>, vector<16xi32>,
        %parallel_loop3A_113 = tpu.vector_load_idx %arg19[%parallel_loop3A_110] : memref<4096xf32, #tpu.memory_space<vmem>>[vector<16xi32>], vector<16xf32>,
        %parallel_loop3A_114 = arith.mulf %parallel_loop3A_108, %parallel_loop3A_113 : vector<16xf32>
        tpu.vector_store_idx %arg23[%parallel_loop3A_112], %parallel_loop3A_114 {add = true} : memref<4096xf32, #tpu.memory_space<vmem>>[vector<16xi32>], vector<16xf32>,
        %parallel_loop3A_115 = tpu.vector_load_idx %arg20[%parallel_loop3A_112] : memref<4096xf32, #tpu.memory_space<vmem>>[vector<16xi32>], vector<16xf32>,
        %parallel_loop3A_116 = arith.mulf %parallel_loop3A_108, %parallel_loop3A_115 : vector<16xf32>
        tpu.vector_store_idx %arg24[%parallel_loop3A_110], %parallel_loop3A_116 {add = true} : memref<4096xf32, #tpu.memory_space<vmem>>[vector<16xi32>], vector<16xf32>,
      } {sc.loop_unroll_factor = 4 : i64, sc.parallel_access}
      "tpu.region"() ({
        %run_scoped3A = tpu.sem_alloc : memref<!tpu.dma_semaphore, #tpu.memory_space<semaphore_mem>>
        %dma_start3A_106 = arith.constant 0 : i32
        %dma_start3A_107 = tpu.memref_slice %arg14[%arg1, %dma_start3A_106] : memref<16x4096xf32, #tpu.memory_space<hbm>> -> memref<1x4096xf32, #tpu.memory_space<hbm>>
        %dma_start3A_108 = tpu.memref_squeeze %dma_start3A_107 : memref<1x4096xf32, #tpu.memory_space<hbm>> -> memref<4096xf32, #tpu.memory_space<hbm>>
        %dma_start3A_109 = arith.constant 0 : i32
        %dma_start3A_110 = tpu.memref_slice %arg14[%arg1, %dma_start3A_109] : memref<16x4096xf32, #tpu.memory_space<hbm>> -> memref<1x4096xf32, #tpu.memory_space<hbm>>
        %dma_start3A_111 = tpu.memref_squeeze %dma_start3A_110 : memref<1x4096xf32, #tpu.memory_space<hbm>> -> memref<4096xf32, #tpu.memory_space<hbm>>
        tpu.enqueue_dma source(%arg23 : memref<4096xf32, #tpu.memory_space<vmem>>) target(%dma_start3A_111 : memref<4096xf32, #tpu.memory_space<hbm>>) target_semaphore(%run_scoped3A : memref<!tpu.dma_semaphore, #tpu.memory_space<semaphore_mem>>)
        %dma_wait3A_112 = arith.constant 0 : i32
        %dma_wait3A_113 = tpu.memref_slice %arg14[%arg1, %dma_wait3A_112] : memref<16x4096xf32, #tpu.memory_space<hbm>> -> memref<1x4096xf32, #tpu.memory_space<hbm>>
        %dma_wait3A_114 = tpu.memref_squeeze %dma_wait3A_113 : memref<1x4096xf32, #tpu.memory_space<hbm>> -> memref<4096xf32, #tpu.memory_space<hbm>>
        %dma_wait3A_115 = arith.constant 0 : i32
        %dma_wait3A_116 = tpu.memref_slice %arg14[%arg1, %dma_wait3A_115] : memref<16x4096xf32, #tpu.memory_space<hbm>> -> memref<1x4096xf32, #tpu.memory_space<hbm>>
        %dma_wait3A_117 = tpu.memref_squeeze %dma_wait3A_116 : memref<1x4096xf32, #tpu.memory_space<hbm>> -> memref<4096xf32, #tpu.memory_space<hbm>>
        tpu.wait_dma2 semaphore(%run_scoped3A : memref<!tpu.dma_semaphore, #tpu.memory_space<semaphore_mem>>) src(%arg23 : memref<4096xf32, #tpu.memory_space<vmem>>) dst(%dma_wait3A_117 : memref<4096xf32, #tpu.memory_space<hbm>>)
        tpu.yield
      }) : () -> ()
      "tpu.region"() ({
        %run_scoped3A = tpu.sem_alloc : memref<!tpu.dma_semaphore, #tpu.memory_space<semaphore_mem>>
        %dma_start3A_106 = arith.constant 0 : i32
        %dma_start3A_107 = tpu.memref_slice %arg15[%arg1, %dma_start3A_106] : memref<16x4096xf32, #tpu.memory_space<hbm>> -> memref<1x4096xf32, #tpu.memory_space<hbm>>
        %dma_start3A_108 = tpu.memref_squeeze %dma_start3A_107 : memref<1x4096xf32, #tpu.memory_space<hbm>> -> memref<4096xf32, #tpu.memory_space<hbm>>
        %dma_start3A_109 = arith.constant 0 : i32
        %dma_start3A_110 = tpu.memref_slice %arg15[%arg1, %dma_start3A_109] : memref<16x4096xf32, #tpu.memory_space<hbm>> -> memref<1x4096xf32, #tpu.memory_space<hbm>>
        %dma_start3A_111 = tpu.memref_squeeze %dma_start3A_110 : memref<1x4096xf32, #tpu.memory_space<hbm>> -> memref<4096xf32, #tpu.memory_space<hbm>>
        tpu.enqueue_dma source(%arg24 : memref<4096xf32, #tpu.memory_space<vmem>>) target(%dma_start3A_111 : memref<4096xf32, #tpu.memory_space<hbm>>) target_semaphore(%run_scoped3A : memref<!tpu.dma_semaphore, #tpu.memory_space<semaphore_mem>>)
        %dma_wait3A_112 = arith.constant 0 : i32
        %dma_wait3A_113 = tpu.memref_slice %arg15[%arg1, %dma_wait3A_112] : memref<16x4096xf32, #tpu.memory_space<hbm>> -> memref<1x4096xf32, #tpu.memory_space<hbm>>
        %dma_wait3A_114 = tpu.memref_squeeze %dma_wait3A_113 : memref<1x4096xf32, #tpu.memory_space<hbm>> -> memref<4096xf32, #tpu.memory_space<hbm>>
        %dma_wait3A_115 = arith.constant 0 : i32
        %dma_wait3A_116 = tpu.memref_slice %arg15[%arg1, %dma_wait3A_115] : memref<16x4096xf32, #tpu.memory_space<hbm>> -> memref<1x4096xf32, #tpu.memory_space<hbm>>
        %dma_wait3A_117 = tpu.memref_squeeze %dma_wait3A_116 : memref<1x4096xf32, #tpu.memory_space<hbm>> -> memref<4096xf32, #tpu.memory_space<hbm>>
        tpu.wait_dma2 semaphore(%run_scoped3A : memref<!tpu.dma_semaphore, #tpu.memory_space<semaphore_mem>>) src(%arg24 : memref<4096xf32, #tpu.memory_space<vmem>>) dst(%dma_wait3A_117 : memref<4096xf32, #tpu.memory_space<hbm>>)
        tpu.yield
      }) : () -> ()
    } else {
    }
    return
  }
}

module attributes {stable_mosaic.version = 14 : i64} {
  func.func @_tc_body(%arg0: memref<4096xf32, #tpu.memory_space<vmem>>, %arg1: memref<4096xf32, #tpu.memory_space<vmem>>, %arg2: memref<4096xf32, #tpu.memory_space<vmem>>, %arg3: memref<4096xf32, #tpu.memory_space<vmem>>, %arg4: memref<4096xf32, #tpu.memory_space<vmem>>, %arg5: memref<8193xf32, #tpu.memory_space<vmem>>, %arg6: memref<16x4096xf32, #tpu.memory_space<vmem>>, %arg7: memref<16x4096xf32, #tpu.memory_space<vmem>>, %arg8: memref<16x4096xf32, #tpu.memory_space<vmem>>, %arg9: memref<16x4096xf32, #tpu.memory_space<vmem>>, %arg10: memref<8193xf32, #tpu.memory_space<vmem>>) attributes {dimension_semantics = [], scalar_prefetch = 0 : i64, scratch_operands = 0 : i64, tpu.core_type = #tpu.core_type<tc>} {
    %get3A = arith.constant 0 : index
    %get3A_0 = arith.constant 0 : index
    %get3A_1 = vector.load %arg6[%get3A, %get3A_0] : memref<16x4096xf32, #tpu.memory_space<vmem>>, vector<16x4096xf32>
    %reduce_sum3A = arith.constant dense<0.000000e+00> : vector<4096xf32>
    %reduce_sum3A_2 = vector.multi_reduction <add>, %get3A_1, %reduce_sum3A [0] : vector<16x4096xf32> to vector<4096xf32>
    %get3A_3 = arith.constant 0 : index
    %get3A_4 = arith.constant 0 : index
    %get3A_5 = vector.load %arg7[%get3A_3, %get3A_4] : memref<16x4096xf32, #tpu.memory_space<vmem>>, vector<16x4096xf32>
    %reduce_sum3A_6 = arith.constant dense<0.000000e+00> : vector<4096xf32>
    %reduce_sum3A_7 = vector.multi_reduction <add>, %get3A_5, %reduce_sum3A_6 [0] : vector<16x4096xf32> to vector<4096xf32>
    %get3A_8 = arith.constant 0 : index
    %get3A_9 = arith.constant 0 : index
    %get3A_10 = vector.load %arg8[%get3A_8, %get3A_9] : memref<16x4096xf32, #tpu.memory_space<vmem>>, vector<16x4096xf32>
    %reduce_sum3A_11 = arith.constant dense<0.000000e+00> : vector<4096xf32>
    %reduce_sum3A_12 = vector.multi_reduction <add>, %get3A_10, %reduce_sum3A_11 [0] : vector<16x4096xf32> to vector<4096xf32>
    %get3A_13 = arith.constant 0 : index
    %get3A_14 = arith.constant 0 : index
    %get3A_15 = vector.load %arg9[%get3A_13, %get3A_14] : memref<16x4096xf32, #tpu.memory_space<vmem>>, vector<16x4096xf32>
    %reduce_sum3A_16 = arith.constant dense<0.000000e+00> : vector<4096xf32>
    %reduce_sum3A_17 = vector.multi_reduction <add>, %get3A_15, %reduce_sum3A_16 [0] : vector<16x4096xf32> to vector<4096xf32>
    %get3A_18 = arith.constant 0 : index
    %get3A_19 = vector.load %arg5[%get3A_18] : memref<8193xf32, #tpu.memory_space<vmem>>, vector<4096xf32>
    %get3A_20 = arith.constant 4096 : index
    %get3A_21 = vector.load %arg5[%get3A_20] : memref<8193xf32, #tpu.memory_space<vmem>>, vector<4096xf32>
    %get3A_22 = arith.constant 8192 : index
    %get3A_23 = vector.load %arg5[%get3A_22] : memref<8193xf32, #tpu.memory_space<vmem>>, vector<1xf32>
    %reduce_sum3A_24 = vector.shape_cast %get3A_23 : vector<1xf32> to vector<1x1xf32>
    %reduce_sum3A_25 = arith.constant dense<0.000000e+00> : vector<1xf32>
    %reduce_sum3A_26 = vector.multi_reduction <add>, %reduce_sum3A_24, %reduce_sum3A_25 [1] : vector<1x1xf32> to vector<1xf32>
    %reduce_sum3A_27 = vector.shape_cast %reduce_sum3A_26 : vector<1xf32> to vector<1x1xf32>
    %reduce_sum3A_28 = vector.extract %reduce_sum3A_27[0, 0] : f32 from vector<1x1xf32>
    %get3A_29 = arith.constant 0 : index
    %get3A_30 = vector.load %arg1[%get3A_29] : memref<4096xf32, #tpu.memory_space<vmem>>, vector<4096xf32>
    %get3A_31 = arith.constant 0 : index
    %get3A_32 = vector.load %arg2[%get3A_31] : memref<4096xf32, #tpu.memory_space<vmem>>, vector<4096xf32>
    %sub3A = arith.subf %get3A_30, %get3A_32 : vector<4096xf32>
    %gt3A = arith.constant 0.000000e+00 : f32
    %gt3A_33 = vector.broadcast %gt3A : f32 to vector<4096xf32>
    %gt3A_34 = arith.cmpf ogt, %sub3A, %gt3A_33 : vector<4096xf32>
    %broadcast_in_dim3A = arith.constant 0.000000e+00 : f32
    %broadcast_in_dim3A_35 = vector.broadcast %broadcast_in_dim3A : f32 to vector<4096xf32>
    %select_n3A = arith.select %gt3A_34, %get3A_21, %broadcast_in_dim3A_35 : vector<4096xi1>, vector<4096xf32>
    %add3A = arith.addf %reduce_sum3A_7, %reduce_sum3A_12 : vector<4096xf32>
    %get3A_36 = arith.constant 0 : index
    %get3A_37 = vector.load %arg3[%get3A_36] : memref<4096xf32, #tpu.memory_space<vmem>>, vector<4096xf32>
    %mul3A = vector.broadcast %reduce_sum3A_28 : f32 to vector<4096xf32>
    %mul3A_38 = arith.mulf %get3A_37, %mul3A : vector<4096xf32>
    %add3A_39 = arith.addf %add3A, %mul3A_38 : vector<4096xf32>
    %swap3A = arith.constant 0 : index
    %swap3A_40 = vector.load %arg10[%swap3A] : memref<8193xf32, #tpu.memory_space<vmem>>, vector<4096xf32>
    tpu.vector_store %arg10[%swap3A], %add3A_39 {strides = array<i32>} : memref<8193xf32, #tpu.memory_space<vmem>>, vector<4096xf32>,
    %neg3A = arith.constant 0.000000e+00 : f32
    %neg3A_41 = vector.broadcast %neg3A : f32 to vector<4096xf32>
    %neg3A_42 = arith.subf %neg3A_41, %reduce_sum3A_17 : vector<4096xf32>
    %get3A_43 = arith.constant 0 : index
    %get3A_44 = vector.load %arg4[%get3A_43] : memref<4096xf32, #tpu.memory_space<vmem>>, vector<4096xf32>
    %mul3A_45 = vector.broadcast %reduce_sum3A_28 : f32 to vector<4096xf32>
    %mul3A_46 = arith.mulf %get3A_44, %mul3A_45 : vector<4096xf32>
    %add3A_47 = arith.addf %neg3A_42, %mul3A_46 : vector<4096xf32>
    %add3A_48 = arith.addf %add3A_47, %get3A_21 : vector<4096xf32>
    %sub3A_49 = arith.subf %add3A_48, %select_n3A : vector<4096xf32>
    %swap3A_50 = arith.constant 4096 : index
    %swap3A_51 = vector.load %arg10[%swap3A_50] : memref<8193xf32, #tpu.memory_space<vmem>>, vector<4096xf32>
    tpu.vector_store %arg10[%swap3A_50], %sub3A_49 {strides = array<i32>} : memref<8193xf32, #tpu.memory_space<vmem>>, vector<4096xf32>,
    %get3A_52 = arith.constant 0 : index
    %get3A_53 = vector.load %arg0[%get3A_52] : memref<4096xf32, #tpu.memory_space<vmem>>, vector<4096xf32>
    %mul3A_54 = arith.mulf %get3A_53, %reduce_sum3A_2 : vector<4096xf32>
    %reduce_sum3A_55 = vector.shape_cast %mul3A_54 : vector<4096xf32> to vector<1x4096xf32>
    %reduce_sum3A_56 = arith.constant dense<0.000000e+00> : vector<1xf32>
    %reduce_sum3A_57 = vector.multi_reduction <add>, %reduce_sum3A_55, %reduce_sum3A_56 [1] : vector<1x4096xf32> to vector<1xf32>
    %reduce_sum3A_58 = vector.shape_cast %reduce_sum3A_57 : vector<1xf32> to vector<1x1xf32>
    %reduce_sum3A_59 = vector.extract %reduce_sum3A_58[0, 0] : f32 from vector<1x1xf32>
    %get3A_60 = arith.constant 0 : index
    %get3A_61 = vector.load %arg3[%get3A_60] : memref<4096xf32, #tpu.memory_space<vmem>>, vector<4096xf32>
    %mul3A_62 = arith.mulf %get3A_61, %get3A_19 : vector<4096xf32>
    %reduce_sum3A_63 = vector.shape_cast %mul3A_62 : vector<4096xf32> to vector<1x4096xf32>
    %reduce_sum3A_64 = arith.constant dense<0.000000e+00> : vector<1xf32>
    %reduce_sum3A_65 = vector.multi_reduction <add>, %reduce_sum3A_63, %reduce_sum3A_64 [1] : vector<1x4096xf32> to vector<1xf32>
    %reduce_sum3A_66 = vector.shape_cast %reduce_sum3A_65 : vector<1xf32> to vector<1x1xf32>
    %reduce_sum3A_67 = vector.extract %reduce_sum3A_66[0, 0] : f32 from vector<1x1xf32>
    %neg3A_68 = arith.constant 0.000000e+00 : f32
    %neg3A_69 = arith.subf %neg3A_68, %reduce_sum3A_67 : f32
    %get3A_70 = arith.constant 0 : index
    %get3A_71 = vector.load %arg4[%get3A_70] : memref<4096xf32, #tpu.memory_space<vmem>>, vector<4096xf32>
    %mul3A_72 = arith.mulf %get3A_71, %select_n3A : vector<4096xf32>
    %reduce_sum3A_73 = vector.shape_cast %mul3A_72 : vector<4096xf32> to vector<1x4096xf32>
    %reduce_sum3A_74 = arith.constant dense<0.000000e+00> : vector<1xf32>
    %reduce_sum3A_75 = vector.multi_reduction <add>, %reduce_sum3A_73, %reduce_sum3A_74 [1] : vector<1x4096xf32> to vector<1xf32>
    %reduce_sum3A_76 = vector.shape_cast %reduce_sum3A_75 : vector<1xf32> to vector<1x1xf32>
    %reduce_sum3A_77 = vector.extract %reduce_sum3A_76[0, 0] : f32 from vector<1x1xf32>
    %sub3A_78 = arith.subf %neg3A_69, %reduce_sum3A_77 : f32
    %mul3A_79 = arith.mulf %reduce_sum3A_2, %get3A_19 : vector<4096xf32>
    %reduce_sum3A_80 = vector.shape_cast %mul3A_79 : vector<4096xf32> to vector<1x4096xf32>
    %reduce_sum3A_81 = arith.constant dense<0.000000e+00> : vector<1xf32>
    %reduce_sum3A_82 = vector.multi_reduction <add>, %reduce_sum3A_80, %reduce_sum3A_81 [1] : vector<1x4096xf32> to vector<1xf32>
    %reduce_sum3A_83 = vector.shape_cast %reduce_sum3A_82 : vector<1xf32> to vector<1x1xf32>
    %reduce_sum3A_84 = vector.extract %reduce_sum3A_83[0, 0] : f32 from vector<1x1xf32>
    %mul3A_85 = arith.constant 2.000000e+00 : f32
    %mul3A_86 = arith.mulf %mul3A_85, %reduce_sum3A_84 : f32
    %sub3A_87 = arith.subf %sub3A_78, %mul3A_86 : f32
    %mul3A_88 = arith.mulf %reduce_sum3A_59, %reduce_sum3A_28 : f32
    %add3A_89 = arith.addf %sub3A_87, %mul3A_88 : f32
    %broadcast_in_dim3A_90 = vector.broadcast %add3A_89 : f32 to vector<1xf32>
    %swap3A_91 = arith.constant 8192 : index
    %swap3A_92 = vector.load %arg10[%swap3A_91] : memref<8193xf32, #tpu.memory_space<vmem>>, vector<1xf32>
    tpu.vector_store %arg10[%swap3A_91], %broadcast_in_dim3A_90 {strides = array<i32>} : memref<8193xf32, #tpu.memory_space<vmem>>, vector<1xf32>,
    return
  }
}

</mosaic_0001>

<sc_bundles>
// kernel: kernel.4.cloned.1.call-start
scs
__scs_entry_jumppad:
0x0: {  	(pc) =	sbr.rel $0x88, $3  }
0x1: {  	(tag) =	ssettag $0x0;
	lr =	simm.s32 $0x1  }
0x2: {  	[smem:$0x3F95] =	sst lr;
	_ =	strace $0xD0000000  }
0x3: {  	_ = 	snop  }
0x4: {  	_ = 	snop  }
0x5: {  	_ = 	snop  }
0x6: {  	_ = 	snop  }
0x7: {  	_ = 	snop  }
__scs_overlays_trampoline_lowered:
0x8: {  	[smem:$0x3FA4] =	sst s0  }
0x9: {  	[smem:$0x3FA5] =	sst s1  }
0xa: {  	[smem:$0x3FA6] =	sst s2  }
0xb: {  	[smem:$0x3FA7] =	sst s3  }
0xc: {  	[smem:$0x3FA8] =	sst s4  }
0xd: {  	[smem:$0x3FA9] =	sst s5  }
0xe: {  	[smem:$0x3FAA] =	sst s6  }
0xf: {  	[smem:$0x3FAB] =	sst s7  }
0x10: {  	[smem:$0x3FAC] =	sst s8  }
0x11: {  	[smem:$0x3FAD] =	sst s9;
	s0 =	simm.s32 @!p0 $0x0  }
0x12: {  	s1 =	sld [smem:$0x3F93];
	s0 =	simm.s32 @p0 $0x1  }
0x13: {  	[smem:$0x3FAE] =	sst s0;
	s0 =	simm.s32 @!p1 $0x0  }
0x14: {  	s2 =	sld [smem:$0x3F92];
	s0 =	simm.s32 @p1 $0x1  }
0x15: {  	[smem:$0x3FAF] =	sst s0;
	s0 =	simm.s32 @!p2 $0x0  }
0x16: {  	s3 =	sld [smem:$0x3FDB];
	s0 =	simm.s32 @p2 $0x1  }
0x17: {  	s4 =	simm.s32 $0x1BF5;
	[smem:$0x3FB1] =	sst s0  }
0x18: {  	s0 =	sld [smem:$0x3F94];
	_ =	swait.ge [sflag:s4], $0x0  }
0x19: {  	s7 =	sld [smem:$0x3F95]  }
0x1a: {  	s8 =	sadd.s32 $0xFFFFE003, lr  }
0x1b: {  	s9 =	sadd.s32 $0xFFFFFEF7, lr;
	s5 =	simm.s32 $0xFFFFFFFF;
	p2 =	slt.u32 s8, $0xFFFFF086  }
0x1c: {  	p1 =	slt.u32 s9, $0xF7A;
	s5 =	simm.s32 @!p2 $0x0  }
0x1d: {  	s5 =	simm.s32 @p1 $0x1;
	p0 =	seq.s32 s7, s2  }
0x1e: {  	s7 =	smul.u32 @!p0 $0xF7A, s2;
	p2 =	seq.s32 @!p0 s5, $0x0  }
0x1f: {  	s9 =	smul.u32 $0xF7A, s1;
	s8 =	simm.s32 @!p0 $0x1BF5;
	p2 =	por !p2, p0  }
0x20: {  	[sflag:s8] =	ssyncset.s32 @!p0 $0xFFFFF086;
	s6 =	sadd.s32 @!p0 s3, s7;
	s7 =	simm.s32 @!p0 $0x108  }
0x21: {  	s3 =	sadd.s32 s3, s9;
	s6 =	sadd.s32 @!p0 $0x88, s6;
	s7 =	simm.s32 @p2 $0x1082  }
0x22: {  	[simem:s7], [sflag:s8] =	dma.local @!p0 [hbm:s6], $0xF7A  }
0x23: {  	s9 =	sor.u32 $0xD0000000, s2;
	s6 =	simm.s32 $0x108;
	_ =	swait.ge @!p0 [sflag:s8], $0x0  }
0x24: {  	s3 =	sadd.s32 $0x88, s3;
	s6 =	simm.s32 @!p1 $0x1082;
	[sflag:s4] =	ssyncset.s32 $0xFFFFF086  }
0x25: {  	[simem:s6], [sflag:s4] =	dma.local [hbm:s3], $0xF7A  }
0x26: {  	[smem:$0x3F95] =	sst s1;
	(tag) =	ssettag s2;
	_ =	strace s9  }
0x27: {  	s1 =	sld [smem:$0x3FA5]  }
0x28: {  	s2 =	sld [smem:$0x3FA6]  }
0x29: {  	s4 =	sld [smem:$0x3FA8]  }
0x2a: {  	p0 =	seq.s32 s5, $0x0;
	s5 =	sld [smem:$0x3FA9]  }
0x2b: {  	s6 =	sld [smem:$0x3FAA]  }
0x2c: {  	s7 =	sld [smem:$0x3FAB]  }
0x2d: {  	s3 =	simm.s32 $0x108;
	s8 =	sld [smem:$0x3FAC]  }
0x2e: {  	s3 =	simm.s32 @!p0 $0x1082;
	s9 =	sld [smem:$0x3FAD]  }
0x2f: {  	lr =	sadd.s32 s0, s3;
	s0 =	sld [smem:$0x3FA4]  }
0x30: {  	s3 =	sld [smem:$0x3FA7]  }
0x31: {  	[smem:$0x3FB0] =	sst s10  }
0x32: {  	s10 =	sld [smem:$0x3FAE];
	_ =	sdelay $0x3  }
0x33: {  	p0 =	seq.s32 s10, $0x1;
	s10 =	sld [smem:$0x3FB0];
	_ =	sdelay $0x3  }
0x34: {  	[smem:$0x3FB0] =	sst s10  }
0x35: {  	s10 =	sld [smem:$0x3FAF];
	_ =	sdelay $0x3  }
0x36: {  	p1 =	seq.s32 s10, $0x1;
	s10 =	sld [smem:$0x3FB0];
	_ =	sdelay $0x3  }
0x37: {  	[smem:$0x3FB0] =	sst s10  }
0x38: {  	s10 =	sld [smem:$0x3FB1]  }
0x39: {  	_ = 	snop;
	(pc) =	sbr.ind lr, $3  }
0x3a: {  	_ = 	snop  }
0x3b: {  	_ = 	snop  }
0x3c: {  	p2 =	seq.s32 s10, $0x1;
	s10 =	sld [smem:$0x3FB0]  }
0x3d: {  	_ =	shalt  }
0x3e: {  	_ =	shalt  }
0x3f: {  	_ =	shalt  }
0x40: {  	_ =	shalt  }
0x41: {  	_ =	shalt  }
0x42: {  	_ =	shalt  }
0x43: {  	_ =	shalt  }
0x44: {  	_ =	shalt  }
0x45: {  	_ =	shalt  }
0x46: {  	_ =	shalt  }
0x47: {  	_ =	shalt  }
0x48: {  	_ =	shalt  }
0x49: {  	_ =	shalt  }
0x4a: {  	_ =	shalt  }
0x4b: {  	_ =	shalt  }
0x4c: {  	_ =	shalt  }
0x4d: {  	_ =	shalt  }
0x4e: {  	_ =	shalt  }
0x4f: {  	_ =	shalt  }
0x50: {  	_ =	shalt  }
0x51: {  	_ =	shalt  }
0x52: {  	_ =	shalt  }
0x53: {  	_ =	shalt  }
0x54: {  	_ =	shalt  }
0x55: {  	_ =	shalt  }
0x56: {  	_ =	shalt  }
0x57: {  	_ =	shalt  }
0x58: {  	_ =	shalt  }
0x59: {  	_ =	shalt  }
0x5a: {  	_ =	shalt  }
0x5b: {  	_ =	shalt  }
0x5c: {  	_ =	shalt  }
0x5d: {  	_ =	shalt  }
0x5e: {  	_ =	shalt  }
0x5f: {  	_ =	shalt  }
0x60: {  	_ =	shalt  }
0x61: {  	_ =	shalt  }
0x62: {  	_ =	shalt  }
0x63: {  	_ =	shalt  }
0x64: {  	_ =	shalt  }
0x65: {  	_ =	shalt  }
0x66: {  	_ =	shalt  }
0x67: {  	_ =	shalt  }
0x68: {  	_ =	shalt  }
0x69: {  	_ =	shalt  }
0x6a: {  	_ =	shalt  }
0x6b: {  	_ =	shalt  }
0x6c: {  	_ =	shalt  }
0x6d: {  	_ =	shalt  }
0x6e: {  	_ =	shalt  }
0x6f: {  	_ =	shalt  }
0x70: {  	_ =	shalt  }
0x71: {  	_ =	shalt  }
0x72: {  	_ =	shalt  }
0x73: {  	_ =	shalt  }
0x74: {  	_ =	shalt  }
0x75: {  	_ =	shalt  }
0x76: {  	_ =	shalt  }
0x77: {  	_ =	shalt  }
0x78: {  	_ =	shalt  }
0x79: {  	_ =	shalt  }
0x7a: {  	_ =	shalt  }
0x7b: {  	_ =	shalt  }
0x7c: {  	_ =	shalt  }
0x7d: {  	_ =	shalt  }
0x7e: {  	_ =	shalt  }
0x7f: {  	_ =	shalt  }
0x80: {  	_ =	shalt  }
0x81: {  	_ =	shalt  }
0x82: {  	_ =	shalt  }
0x83: {  	_ =	shalt  }
0x84: {  	_ =	shalt  }
0x85: {  	_ =	shalt  }
0x86: {  	_ =	shalt  }
0x87: {  	_ =	shalt  }
.Lfunc_end0:
.L_simem_size_0:
called_computation_lowered:
.L_overlay_start_0:
0x88: {  	s2 =	sld [smem:$0x3FD9]  }
0x89: {  	s3 =	sld [smem:$0x3FFE];
	_ =	sdelay $0x1  }
0x8a: {  	s1 =	srdreg.scid  }
0x8b: {  	s0 =	sand.u32 $0x1, s1  }
0x8c: {  	s17 =	sshll.u32 s0, $0xA;
	s2 =	sadd.s32 s3, s2  }
0x8d: {  	s2 =	sadd.s32 s2, s17  }
0x8e: {  	[smem:$0x3FBC] =	sst s2  }
0x8f: {  	_ = 	snop  }
0x90: {  	s2 =	sld [smem:$0x3FC9]  }
0x91: {  	s18 =	sld [smem:$0x3FC8]  }
0x92: {  	s4 =	sld [smem:$0x3FC7]  }
0x93: {  	s5 =	sld [smem:$0x3FC4]  }
0x94: {  	s6 =	sld [smem:$0x3FC3]  }
0x95: {  	s7 =	sld [smem:$0x3FC2]  }
0x96: {  	s8 =	sld [smem:$0x3FC1]  }
0x97: {  	s9 =	sld [smem:$0x3FC0]  }
0x98: {  	s10 =	sld [smem:$0x3FBF]  }
0x99: {  	s11 =	sld [smem:$0x3FBE];
	(tm) =	ssettm $0x1  }
0x9a: {  	s12 =	sld [smem:$0x3FFB];
	_ =	sdelay $0x3  }
0x9b: {  	_ =	strace s12  }
0x9c: {  	s12 =	sld [smem:$0x3FFC];
	_ =	sdelay $0x3  }
0x9d: {  	_ =	strace s12  }
0x9e: {  	s12 =	sld [smem:$0x3FFD];
	_ =	sdelay $0x3  }
0x9f: {  	_ =	strace s12  }
0xa0: {  	_ =	strace $0x8FFFFFFF  }
0xa1: {  	s19 =	sld [smem:$0x3FDB];
	_ =	sdelay $0x1  }
0xa2: {  	s13 =	simm.s32 $_scs_section_size  }
0xa3: {  	s14 =	simm.s32 $_size__tile_overlayer_lowered;
	s15 =	simm.s32 $_tile_overlayer_lowered  }
0xa4: {  	s22 =	simm.s32 $0x1BFF;
	s21 =	sshll.u32 s15, $0x1;
	s12 =	sadd.s32 s13, s19  }
0xa5: {  	s16 =	simm.s32 $0x0;
	s20 =	sshll.u32 s14, $0x1;
	s14 =	sadd.s32 s21, s12  }
0xa6: {  	[timem:s16], [sflag:s22] =	dma.local [hbm:s14], s20  }
0xa7: {  	_ =	swait.ge [sflag:s22], s20  }
0xa8: {  	s13 =	ssub.s32 $0x0, s20;
	[sflag:s22] =	ssyncset.done $0x0  }
0xa9: {  	[sflag:s22] =	ssyncadd.s32 s13;
	_ =	sdelay $0x1  }
0xaa: {  	s23 =	simm.s32 $0x1B8B  }
0xab: {  	_ =	swait.ge [sflag:s23], $0x1  }
0xac: {  	[sflag:s23] =	ssyncset.done $0x0  }
0xad: {  	s25 =	simm.s32 $0x1B8E;
	s24 =	sld [smem:$0x3FFE];
	[sflag:s23] =	ssyncadd.s32 $0xFFFFFFFF  }
0xae: {  	s26 =	simm.s32 $execute0_lowered;
	[smem:$0x3FD2] =	sst s25  }
0xaf: {  	s14 =	sshll.u32 s26, $0x1;
	_ =	strace $0x80000046;
	[dreg:$0x1] =	wrdreg $0xFFFFFFFF  }
0xb0: {  	s28 =	simm.s32 $_size_execute0_lowered;
	s12 =	sadd.s32 s12, s14;
	[dreg:$0x0] =	wrdreg $0x0  }
0xb1: {  	s14 =	sshll.u32 s28, $0x1;
	[dreg:$0x2] =	wrdreg s12  }
0xb2: {  	[dreg:$0x3] =	wrdreg s14  }
0xb3: {  	[dreg:$0x4] =	wrdreg $0xC0  }
0xb4: {  	_ =	task [dreg:s16], $0x5FFFF  }
0xb5: {  	[dreg:$0x1] =	wrdreg $0xFFFFFFFF  }
0xb6: {  	[dreg:$0x0] =	wrdreg $0x60  }
0xb7: {  	[dreg:$0x2] =	wrdreg s5  }
0xb8: {  	[dreg:$0x3] =	wrdreg s6  }
0xb9: {  	[dreg:$0x4] =	wrdreg s7  }
0xba: {  	[dreg:$0x5] =	wrdreg s8  }
0xbb: {  	[dreg:$0x6] =	wrdreg s9  }
0xbc: {  	[dreg:$0x7] =	wrdreg s10  }
0xbd: {  	[dreg:$0x8] =	wrdreg s2  }
0xbe: {  	[dreg:$0x9] =	wrdreg s18  }
0xbf: {  	[dreg:$0xa] =	wrdreg s4  }
0xc0: {  	[dreg:$0xb] =	wrdreg s11  }
0xc1: {  	[dreg:$0xc] =	wrdreg s24  }
0xc2: {  	[dreg:$0xd] =	wrdreg $0x9  }
0xc3: {  	_ =	task.clear_ibuf [dreg:s16], $0xEFFFF;
	_ =	strace $0x90000046  }
0xc4: {  	s29 =	simm.s32 $0x9;
	_ =	strace $0x80000048  }
0xc5: {  	_ =	swait.ge [sflag:s29], $0x1  }
0xc6: {  	[sflag:s29] =	ssyncadd.s32 $0xFFFFFFFF  }
0xc7: {  	_ =	strace $0x90000048  }
0xc8: {  	_ =	sfence  }
0xc9: {  	s30 =	sld [smem:$0x0];
	_ =	sdelay $0x2  }
0xca: {  	s31 =	sshll.u32 s1, $0xD;
	s1 =	sshrl.u32 s1, $0x2  }
0xcb: {  	s3 =	sand.u32 $0x4000, s31;
	s1 =	sadd.s32 s1, s30  }
0xcc: {  	s0 =	sor.u32 s3, s0;
	s1 =	sshll.u32 s1, $0x11  }
0xcd: {  	s0 =	sor.u32 s1, s0  }
0xce: {  	s0 =	sadd.s32 $0x8F2B, s0  }
0xcf: {  	[sflag:s0] =	ssyncadd.remote.s32 $0x1  }
0xd0: {  	_ =	sfence.sel $0xFFFF  }
0xd1: {  	[dreg:$0x0] =	wrdreg $0xFFFFFFFF;
	(pc) =	sbr.abs _section_cstart, $3  }
0xd2: {  	[dreg:$0x1] =	wrdreg $0xFFFFFFFF  }
0xd3: {  	_ =	task.clear_ibuf [dreg:s16], $0x2FFFF;
	_ =	strace $0x9FFFFFFF  }
0xd4: {  	(tm) =	ssettm $0x7FFFFFFF  }
0xd5: {  	_ =	shalt  }
tec
execute0_lowered:
.L_overlay_start_1:
0x0: {  	(tag) =	ssettag $0x1  }
0x1: {  	s0 =	rddreg [dreg:$0x0]  }
0x2: {  	s1 =	rddreg [dreg:$0x1]  }
0x3: {  	s2 =	rddreg [dreg:$0x2]  }
0x4: {  	s3 =	rddreg [dreg:$0x3]  }
0x5: {  	s4 =	rddreg [dreg:$0x4]  }
0x6: {  	s5 =	rddreg [dreg:$0x5]  }
0x7: {  	s29 =	rddreg [dreg:$0x9]  }
0x8: {  	s7 =	rddreg [dreg:$0xa];
	s6 =	simm.s32 $0x0  }
0x9: {  	s8 =	srdreg.scid;
	s12 =	stileid.u32;
	s28 =	simm.s32 $0x8800  }
0xa: {  	s31 =	simm.s32 $0x1400;
	[smem:$0x7FF] =	sst s6;
	s8 =	sand.u32 $0x1, s8  }
0xb: {  	s9 =	smul.u32 $0x2800, s12;
	s10 =	sadd.s32 $0x1C00, s7;
	s11 =	sadd.s32 $0x3C00, s7  }
0xc: {  	s26 =	sshll.u32 s12, $0x9;
	_ =	strace $0x80000047;
	[dreg:$0xc] =	wrdreg s10  }
0xd: {  	s30 =	sshll.u32 s12, $0x4;
	s20 =	ssub.s32 $0x2, s8;
	[dreg:$0xd] =	wrdreg s11  }
0xe: {  	p0 =	sne.s32 s8, $0x0;
	s21 =	sshrl.u32 s20, $0x1;
	s9 =	sshrl.u32 s9, $0x3  }
0xf: {  	s8 =	simm.s32 $0x0;
	s10 =	ssub.s32 s20, s21;
	s22 =	sadd.s32 s3, s9  }
0x10: {  	s23 =	sadd.s32 $0x280, s9;
	s13 =	sadd.s32 s4, s9;
	s24 =	sadd.s32 s5, s9  }
0x11: {  	s15 =	sadd.s32 s0, s9;
	s16 =	sadd.s32 s1, s9;
	[dreg:$0xe] =	wrdreg s22  }
0x12: {  	s17 =	sadd.s32 s2, s9;
	s21 =	sadd.s32 $0x5C00, s7;
	[dreg:$0xf] =	wrdreg s13  }
0x13: {  	s9 =	simm.s32 $0x2;
	[dreg:$0x10] =	wrdreg s24;
	s3 =	sadd.s32 s3, s23  }
0x14: {  	s25 =	sadd.s32 s4, s23;
	s14 =	sadd.s32 s5, s23;
	s18 =	sadd.s32 s0, s23  }
0x15: {  	s19 =	sadd.s32 s1, s23;
	s20 =	sadd.s32 s2, s23;
	s22 =	sadd.s32 $0x7C00, s7  }
.Ltmp0:
0x16: {  	s23 =	sadd.s32 $0x200, s29;
	s0 =	simm.s32 $0x3C00;
	(pc) =	sbr.rel .LBB2_1-.Ltmp0, $4  }
0x17: {  	s5 =	simm.s32 $0x6400;
	s1 =	simm.s32 $0x1;
	s2 =	simm.s32 $0xB800  }
0x18: {  	s4 =	simm.s32 $0x80;
	s7 =	simm.s32 $0x400;
	[dreg:$0x11] =	wrdreg s3  }
0x19: {  	[dreg:$0x12] =	wrdreg s25;
	s3 =	sor.u32 s30, s26;
	s25 =	smax.u32 s10, $0x1  }
0x1a: {  	v0 =	vimm.f32 $0.0e+00;
	s26 =	simm.s32 $0x7800;
	s24 =	sand.u32 $0x1070, s3;
	s3 =	simm.s32 $0xC800  }
.LBB2_11:
0x1b: {  	_ =	sdelay $0x3  }
0x1c: {  	v10 =	vld.idx.msk [tilespmem:v10+s28+$0x0], $0xffff  }
0x1d: {  	v11 =	vld.idx.msk [tilespmem:v11+s28+$0x0], $0xffff  }
0x1e: {  	[tilespmem:v8+s2+$0x0] =	vst.idx.add.f32.msk $0xffff, v12  }
0x1f: {  	v8 =	vld.idx.msk [tilespmem:v8+s28+$0x0], $0xffff;
	_ =	sdelay $0x2  }
0x20: {  	v7 =	vmul.f32 v10, v7  }
0x21: {  	[tilespmem:v1+s3+$0x0] =	vst.idx.add.f32.msk $0xffff, v9;
	v5 =	vmul.f32 v11, v5  }
0x22: {  	[tilespmem:v3+s3+$0x0] =	vst.idx.add.f32.msk $0xffff, v7;
	v3 =	vmul.f32 v8, v6  }
0x23: {  	[tilespmem:v4+s3+$0x0] =	vst.idx.add.f32.msk $0xffff, v5  }
0x24: {  	s11 =	smov.u32 s21;
	s10 =	smov.u32 s22;
	s29 =	smov.u32 s30;
	[tilespmem:v2+s3+$0x0] =	vst.idx.add.f32.msk $0xffff, v3  }
.LBB2_12:
0x25: {  	s11 =	sadd.s32 s11, s24  }
0x26: {  	[hbm4b:s11+s4] =	stream.strided.scatter [tilespmem:s2], [sflag:$0x2], $0x1000, s7, s4, $0x38;
	[tilespmem:$0xD800] =	vst v63  }
0x27: {  	s8 =	sadd.s32 $0x1, s8;
	_ =	swait.ge [sflag:s9], $0x1000  }
0x28: {  	p1 =	sne.s32 s8, s25;
	[sflag:s9] =	ssyncset.done $0x0  }
.Ltmp1:
0x29: {  	s10 =	sadd.s32 s10, s24;
	[sflag:s9] =	ssyncadd.s32 $0xFFFFF000;
	(pc) =	sbr.rel @!p1 .LBB2_13-.Ltmp1, $4  }
0x2a: {  	[hbm4b:s10+s4] =	stream.strided.scatter [tilespmem:s3], [sflag:$0x2], $0x1000, s7, s4, $0x38;
	[tilespmem:$0xD800] =	vst v63  }
0x2b: {  	_ =	swait.ge [sflag:s9], $0x1000  }
0x2c: {  	[sflag:s9] =	ssyncset.done $0x0  }
0x2d: {  	[sflag:s9] =	ssyncadd.s32 $0xFFFFF000  }
.LBB2_1:
0x2e: {  	s11 =	simm.s32 $0xB820  }
0x2f: {  	[tilespmem:s11+$0xFFFFFFF0] =	vst v0  }
0x30: {  	[tilespmem:s11+$0x0] =	vst v0  }
0x31: {  	[tilespmem:s11+$0x10] =	vst v0  }
0x32: {  	s10 =	simm.s32 $0xC820;
	[tilespmem:s11+$0xFFFFFFE0] =	vst v0  }
0x33: {  	[tilespmem:s10+$0xFFFFFFF0] =	vst v0  }
0x34: {  	[tilespmem:s10+$0x0] =	vst v0  }
0x35: {  	[tilespmem:s10+$0x10] =	vst v0  }
0x36: {  	s12 =	simm.s32 $0xB860;
	s11 =	simm.s32 $0x0;
	[tilespmem:s10+$0xFFFFFFE0] =	vst v0  }
.LBB2_2:
0x37: {  	[tilespmem:s12+$0xFFFFFFF0] =	vst v0;
	s10 =	sadd.s32 $0x40, s10  }
0x38: {  	s11 =	sadd.s32 $0x40, s11;
	[tilespmem:s10+$0xFFFFFFF0] =	vst v0  }
0x39: {  	p1 =	slt.u32 s11, $0xFC0;
	[tilespmem:s12+$0x0] =	vst v0  }
.Ltmp2:
0x3a: {  	[tilespmem:s10+$0x0] =	vst v0;
	(pc) =	sbr.rel @p1 .LBB2_2-.Ltmp2, $4  }
0x3b: {  	[tilespmem:s12+$0x10] =	vst v0  }
0x3c: {  	[tilespmem:s10+$0x10] =	vst v0  }
0x3d: {  	[tilespmem:s12+$0xFFFFFFE0] =	vst v0  }
0x3e: {  	s12 =	sadd.s32 $0x40, s12;
	[tilespmem:s10+$0xFFFFFFE0] =	vst v0  }
.Ltmp3:
0x3f: {  	(pc) =	sbr.rel @p0 .LBB2_7-.Ltmp3, $1  }
0x40: {  	_ =	sdelay $0x3  }
0x41: {  	s10 =	rddreg [dreg:$0x6]  }
0x42: {  	[tilespmem:s26], [sflag:$0x1] =	stream.linear.gather [hbm4b:s10+s6], $0x1000, $0x38;
	[tilespmem:$0xD800] =	vst v63  }
0x43: {  	_ = 	snop  }
0x44: {  	[tilespmem:s28], [sflag:$0x1] =	stream.linear.gather [hbm4b:s29+s6], $0x1000, $0x38;
	[tilespmem:$0xD800] =	vst v63  }
0x45: {  	_ = 	snop  }
0x46: {  	[tilespmem:s6], [sflag:$0x1] =	stream.linear.gather [hbm4b:s15+s6], $0x1400, $0x38;
	[tilespmem:$0xD800] =	vst v63  }
0x47: {  	s11 =	simm.s32 $0x2800  }
0x48: {  	[tilespmem:s11], [sflag:$0x1] =	stream.linear.gather [hbm4b:s16+s6], $0x1400, $0x38;
	[tilespmem:$0xD800] =	vst v63  }
0x49: {  	s12 =	simm.s32 $0x5000  }
0x4a: {  	[tilespmem:s12], [sflag:$0x1] =	stream.linear.gather [hbm4b:s17+s6], $0x1400, $0x38;
	[tilespmem:$0xD800] =	vst v63  }
0x4b: {  	_ = 	snop  }
0x4c: {  	[tilespmem:s31], [sflag:$0x1] =	stream.linear.gather [hbm4b:s18+s6], $0x1400, $0x38;
	[tilespmem:$0xD800] =	vst v63  }
0x4d: {  	_ = 	snop  }
0x4e: {  	[tilespmem:s0], [sflag:$0x1] =	stream.linear.gather [hbm4b:s19+s6], $0x1400, $0x38;
	[tilespmem:$0xD800] =	vst v63  }
0x4f: {  	_ = 	snop  }
0x50: {  	[tilespmem:s5], [sflag:$0x1] =	stream.linear.gather [hbm4b:s20+s6], $0x1400, $0x38;
	[tilespmem:$0xD800] =	vst v63  }
0x51: {  	_ =	swait.ge [sflag:s1], $0x1000  }
0x52: {  	[sflag:s1] =	ssyncset.done $0x0  }
0x53: {  	[sflag:s1] =	ssyncadd.s32 $0xFFFFF000  }
0x54: {  	_ =	swait.ge [sflag:s1], $0x1000  }
0x55: {  	[sflag:s1] =	ssyncset.done $0x0  }
0x56: {  	[sflag:s1] =	ssyncadd.s32 $0xFFFFF000  }
0x57: {  	_ =	swait.ge [sflag:s1], $0x1400  }
0x58: {  	[sflag:s1] =	ssyncset.done $0x0  }
0x59: {  	[sflag:s1] =	ssyncadd.s32 $0xFFFFEC00  }
0x5a: {  	_ =	swait.ge [sflag:s1], $0x1400  }
0x5b: {  	[sflag:s1] =	ssyncset.done $0x0  }
0x5c: {  	[sflag:s1] =	ssyncadd.s32 $0xFFFFEC00  }
0x5d: {  	_ =	swait.ge [sflag:s1], $0x1400  }
0x5e: {  	[sflag:s1] =	ssyncset.done $0x0  }
0x5f: {  	[sflag:s1] =	ssyncadd.s32 $0xFFFFEC00  }
0x60: {  	_ =	swait.ge [sflag:s1], $0x1400  }
0x61: {  	[sflag:s1] =	ssyncset.done $0x0  }
0x62: {  	[sflag:s1] =	ssyncadd.s32 $0xFFFFEC00  }
0x63: {  	_ =	swait.ge [sflag:s1], $0x1400  }
0x64: {  	[sflag:s1] =	ssyncset.done $0x0  }
0x65: {  	[sflag:s1] =	ssyncadd.s32 $0xFFFFEC00  }
0x66: {  	_ =	swait.ge [sflag:s1], $0x1400  }
0x67: {  	[sflag:s1] =	ssyncset.done $0x0  }
0x68: {  	s13 =	simm.s32 $0x5020;
	[sflag:s1] =	ssyncadd.s32 $0xFFFFEC00  }
0x69: {  	v1 =	vld [tilespmem:s13+$0x10];
	_ =	sdelay $0x3  }
0x6a: {  	v5 =	vld [tilespmem:s13+$0xFFFFFFE0]  }
0x6b: {  	s11 =	simm.s32 $0x2820;
	v6 =	vld [tilespmem:s13+$0xFFFFFFF0]  }
0x6c: {  	s12 =	simm.s32 $0x20;
	v2 =	vld [tilespmem:s11+$0x10]  }
0x6d: {  	v4 =	vld [tilespmem:s12+$0x10]  }
0x6e: {  	v3 =	vld.idx.msk [tilespmem:v1+s26+$0x0], $0xffff  }
0x6f: {  	v11 =	vld [tilespmem:s13+$0x0]  }
0x70: {  	v12 =	vld [tilespmem:s11+$0xFFFFFFE0]  }
0x71: {  	v13 =	vld [tilespmem:s12+$0xFFFFFFE0]  }
0x72: {  	v14 =	vld [tilespmem:s11+$0xFFFFFFF0]  }
0x73: {  	v15 =	vld [tilespmem:s12+$0xFFFFFFF0];
	v3 =	vmul.f32 v3, v4  }
0x74: {  	v16 =	vld [tilespmem:s12+$0x0]  }
0x75: {  	[tilespmem:v2+s2+$0x0] =	vst.idx.add.f32.msk $0xffff, v3  }
0x76: {  	v1 =	vld.idx.msk [tilespmem:v1+s28+$0x0], $0xffff  }
0x77: {  	s10 =	simm.s32 $0x2860;
	v7 =	vld.idx.msk [tilespmem:v5+s26+$0x0], $0xffff  }
0x78: {  	v18 =	vld [tilespmem:s10+$0x10]  }
0x79: {  	v8 =	vld.idx.msk [tilespmem:v6+s26+$0x0], $0xffff  }
0x7a: {  	v9 =	vld.idx.msk [tilespmem:v11+s26+$0x0], $0xffff  }
0x7b: {  	s30 =	simm.s32 $0x5060;
	v3 =	vmul.f32 v1, v4;
	v1 =	vld [tilespmem:s11+$0x0]  }
0x7c: {  	v4 =	vmul.f32 v7, v13;
	v7 =	vld [tilespmem:s30+$0x10];
	s11 =	simm.s32 $0x60  }
0x7d: {  	v19 =	vld [tilespmem:s11+$0x10]  }
0x7e: {  	v10 =	vld [tilespmem:s11+$0xFFFFFFE0]  }
0x7f: {  	[tilespmem:v2+s3+$0x0] =	vst.idx.add.f32.msk $0xffff, v3  }
0x80: {  	[tilespmem:v12+s2+$0x0] =	vst.idx.add.f32.msk $0xffff, v4  }
0x81: {  	v3 =	vld [tilespmem:s30+$0xFFFFFFE0]  }
0x82: {  	v4 =	vld [tilespmem:s30+$0xFFFFFFF0]  }
0x83: {  	v2 =	vmul.f32 v8, v15;
	v8 =	vmul.f32 v9, v16;
	v9 =	vld [tilespmem:s10+$0xFFFFFFF0]  }
0x84: {  	v17 =	vld.idx.msk [tilespmem:v5+s28+$0x0], $0xffff  }
0x85: {  	v5 =	vld [tilespmem:s11+$0xFFFFFFF0]  }
0x86: {  	[tilespmem:v14+s2+$0x0] =	vst.idx.add.f32.msk $0xffff, v2  }
0x87: {  	v2 =	vld [tilespmem:s30+$0x0]  }
0x88: {  	[tilespmem:v1+s2+$0x0] =	vst.idx.add.f32.msk $0xffff, v8  }
0x89: {  	v8 =	vld.idx.msk [tilespmem:v7+s26+$0x0], $0xffff  }
0x8a: {  	v20 =	vld.idx.msk [tilespmem:v6+s28+$0x0], $0xffff  }
0x8b: {  	v11 =	vld.idx.msk [tilespmem:v11+s28+$0x0], $0xffff  }
0x8c: {  	v13 =	vmul.f32 v17, v13;
	v21 =	vld.idx.msk [tilespmem:v3+s26+$0x0], $0xffff  }
0x8d: {  	v22 =	vld.idx.msk [tilespmem:v4+s26+$0x0], $0xffff  }
0x8e: {  	[tilespmem:v12+s3+$0x0] =	vst.idx.add.f32.msk $0xffff, v13;
	v6 =	vmul.f32 v8, v19  }
0x8f: {  	v8 =	vld [tilespmem:s10+$0xFFFFFFE0]  }
0x90: {  	[tilespmem:v18+s2+$0x0] =	vst.idx.add.f32.msk $0xffff, v6  }
0x91: {  	v24 =	vld.idx.msk [tilespmem:v7+s28+$0x0], $0xffff  }
0x92: {  	v15 =	vmul.f32 v20, v15;
	v23 =	vld.idx.msk [tilespmem:v2+s26+$0x0], $0xffff  }
0x93: {  	v6 =	vld [tilespmem:s11+$0x0]  }
0x94: {  	[tilespmem:v14+s3+$0x0] =	vst.idx.add.f32.msk $0xffff, v15;
	v14 =	vmul.f32 v22, v5  }
0x95: {  	v13 =	vmul.f32 v21, v10;
	v7 =	vld [tilespmem:s10+$0x0]  }
0x96: {  	[tilespmem:v9+s2+$0x0] =	vst.idx.add.f32.msk $0xffff, v14;
	v12 =	vmul.f32 v24, v19  }
0x97: {  	[tilespmem:v8+s2+$0x0] =	vst.idx.add.f32.msk $0xffff, v13  }
0x98: {  	s12 =	simm.s32 $0x40;
	s13 =	simm.s32 $0x50A0;
	v11 =	vmul.f32 v11, v16;
	[tilespmem:v18+s3+$0x0] =	vst.idx.add.f32.msk $0xffff, v12;
	v12 =	vmul.f32 v23, v6  }
.LBB2_5:
0x99: {  	v13 =	vld [tilespmem:s13+$0x10];
	s12 =	sadd.s32 $0x40, s12  }
0x9a: {  	v14 =	vld [tilespmem:s13+$0xFFFFFFE0];
	p1 =	slt.u32 s12, $0x27C0  }
0x9b: {  	v15 =	vld [tilespmem:s13+$0xFFFFFFF0]  }
0x9c: {  	v16 =	vld [tilespmem:s13+$0x0]  }
0x9d: {  	[tilespmem:v7+s2+$0x0] =	vst.idx.add.f32.msk $0xffff, v12  }
0x9e: {  	v12 =	vld.idx.msk [tilespmem:v3+s28+$0x0], $0xffff  }
0x9f: {  	s10 =	sadd.s32 $0x40, s10;
	v17 =	vld.idx.msk [tilespmem:v4+s28+$0x0], $0xffff;
	v3 =	vmov v14  }
0xa0: {  	v18 =	vld [tilespmem:s10+$0x10];
	v4 =	vmov v15  }
0xa1: {  	s11 =	sadd.s32 $0x40, s11;
	v19 =	vld.idx.msk [tilespmem:v13+s26+$0x0], $0xffff  }
0xa2: {  	v20 =	vld [tilespmem:s11+$0x10]  }
0xa3: {  	v14 =	vld.idx.msk [tilespmem:v14+s26+$0x0], $0xffff  }
0xa4: {  	v21 =	vmul.f32 v12, v10;
	v15 =	vld.idx.msk [tilespmem:v15+s26+$0x0], $0xffff  }
0xa5: {  	v17 =	vmul.f32 v17, v5;
	v12 =	vld.idx.msk [tilespmem:v16+s26+$0x0], $0xffff  }
0xa6: {  	v5 =	vld [tilespmem:s11+$0xFFFFFFF0]  }
0xa7: {  	v22 =	vld [tilespmem:s11+$0x0];
	v19 =	vmul.f32 v19, v20  }
0xa8: {  	v10 =	vld [tilespmem:s11+$0xFFFFFFE0]  }
0xa9: {  	[tilespmem:v18+s2+$0x0] =	vst.idx.add.f32.msk $0xffff, v19  }
0xaa: {  	v13 =	vld.idx.msk [tilespmem:v13+s28+$0x0], $0xffff  }
0xab: {  	v19 =	vld [tilespmem:s10+$0xFFFFFFE0];
	v15 =	vmul.f32 v15, v5  }
0xac: {  	v23 =	vld [tilespmem:s10+$0xFFFFFFF0];
	v12 =	vmul.f32 v12, v22  }
0xad: {  	v14 =	vmul.f32 v14, v10;
	v24 =	vld [tilespmem:s10+$0x0]  }
0xae: {  	v25 =	vld.idx.msk [tilespmem:v2+s28+$0x0], $0xffff;
	v2 =	vmov v16  }
0xaf: {  	[tilespmem:v8+s3+$0x0] =	vst.idx.add.f32.msk $0xffff, v21  }
.Ltmp4:
0xb0: {  	v13 =	vmul.f32 v13, v20;
	[tilespmem:v9+s3+$0x0] =	vst.idx.add.f32.msk $0xffff, v17;
	v8 =	vmov v19;
	(pc) =	sbr.rel @p1 .LBB2_5-.Ltmp4, $4  }
0xb1: {  	[tilespmem:v1+s3+$0x0] =	vst.idx.add.f32.msk $0xffff, v11;
	v9 =	vmov v23;
	v1 =	vmov v7  }
0xb2: {  	[tilespmem:v18+s3+$0x0] =	vst.idx.add.f32.msk $0xffff, v13;
	v7 =	vmov v24  }
0xb3: {  	[tilespmem:v19+s2+$0x0] =	vst.idx.add.f32.msk $0xffff, v14  }
0xb4: {  	s13 =	sadd.s32 $0x40, s13;
	v11 =	vmul.f32 v25, v6;
	v6 =	vmov v22;
	[tilespmem:v23+s2+$0x0] =	vst.idx.add.f32.msk $0xffff, v15  }
0xb5: {  	_ =	sdelay $0x3  }
0xb6: {  	v3 =	vld.idx.msk [tilespmem:v3+s28+$0x0], $0xffff  }
0xb7: {  	v4 =	vld.idx.msk [tilespmem:v4+s28+$0x0], $0xffff  }
0xb8: {  	[tilespmem:v7+s2+$0x0] =	vst.idx.add.f32.msk $0xffff, v12  }
0xb9: {  	v2 =	vld.idx.msk [tilespmem:v2+s28+$0x0], $0xffff;
	_ =	sdelay $0x2  }
0xba: {  	v3 =	vmul.f32 v3, v10  }
0xbb: {  	[tilespmem:v1+s3+$0x0] =	vst.idx.add.f32.msk $0xffff, v11;
	v4 =	vmul.f32 v4, v5  }
.Ltmp5:
0xbc: {  	v2 =	vmul.f32 v2, v6;
	[tilespmem:v8+s3+$0x0] =	vst.idx.add.f32.msk $0xffff, v3;
	(pc) =	sbr.rel .LBB2_12-.Ltmp5, $4  }
0xbd: {  	[tilespmem:v9+s3+$0x0] =	vst.idx.add.f32.msk $0xffff, v4  }
0xbe: {  	[tilespmem:v7+s3+$0x0] =	vst.idx.add.f32.msk $0xffff, v2  }
0xbf: {  	s11 =	rddreg [dreg:$0xc]  }
0xc0: {  	s10 =	rddreg [dreg:$0xd]  }
.LBB2_7:
0xc1: {  	s10 =	rddreg [dreg:$0x7];
	s11 =	simm.s32 $0x9800  }
0xc2: {  	[tilespmem:s11], [sflag:$0x1] =	stream.linear.gather [hbm4b:s10+s6], $0x1000, $0x38;
	[tilespmem:$0xD800] =	vst v63  }
0xc3: {  	s12 =	rddreg [dreg:$0x8];
	s13 =	simm.s32 $0xA800  }
0xc4: {  	[tilespmem:s13], [sflag:$0x1] =	stream.linear.gather [hbm4b:s12+s6], $0x1000, $0x38;
	[tilespmem:$0xD800] =	vst v63  }
0xc5: {  	_ = 	snop  }
0xc6: {  	[tilespmem:s26], [sflag:$0x1] =	stream.linear.gather [hbm4b:s23+s6], $0x1000, $0x38;
	[tilespmem:$0xD800] =	vst v63  }
0xc7: {  	_ = 	snop  }
0xc8: {  	[tilespmem:s28], [sflag:$0x1] =	stream.linear.gather [hbm4b:s29+s6], $0x1000, $0x38;
	[tilespmem:$0xD800] =	vst v63  }
0xc9: {  	s11 =	rddreg [dreg:$0xe]  }
0xca: {  	[tilespmem:s6], [sflag:$0x1] =	stream.linear.gather [hbm4b:s11+s6], $0x1400, $0x38;
	[tilespmem:$0xD800] =	vst v63  }
0xcb: {  	s12 =	rddreg [dreg:$0xf];
	s13 =	simm.s32 $0x2800  }
0xcc: {  	[tilespmem:s13], [sflag:$0x1] =	stream.linear.gather [hbm4b:s12+s6], $0x1400, $0x38;
	[tilespmem:$0xD800] =	vst v63  }
0xcd: {  	s12 =	rddreg [dreg:$0x10];
	s13 =	simm.s32 $0x5000  }
0xce: {  	[tilespmem:s13], [sflag:$0x1] =	stream.linear.gather [hbm4b:s12+s6], $0x1400, $0x38;
	[tilespmem:$0xD800] =	vst v63  }
0xcf: {  	s12 =	rddreg [dreg:$0x11]  }
0xd0: {  	[tilespmem:s31], [sflag:$0x1] =	stream.linear.gather [hbm4b:s12+s6], $0x1400, $0x38;
	[tilespmem:$0xD800] =	vst v63  }
0xd1: {  	s13 =	rddreg [dreg:$0x12]  }
0xd2: {  	[tilespmem:s0], [sflag:$0x1] =	stream.linear.gather [hbm4b:s13+s6], $0x1400, $0x38;
	[tilespmem:$0xD800] =	vst v63  }
0xd3: {  	_ = 	snop  }
0xd4: {  	[tilespmem:s5], [sflag:$0x1] =	stream.linear.gather [hbm4b:s14+s6], $0x1400, $0x38;
	[tilespmem:$0xD800] =	vst v63  }
0xd5: {  	_ =	swait.ge [sflag:s1], $0x1000  }
0xd6: {  	[sflag:s1] =	ssyncset.done $0x0  }
0xd7: {  	[sflag:s1] =	ssyncadd.s32 $0xFFFFF000  }
0xd8: {  	_ =	swait.ge [sflag:s1], $0x1000  }
0xd9: {  	[sflag:s1] =	ssyncset.done $0x0  }
0xda: {  	[sflag:s1] =	ssyncadd.s32 $0xFFFFF000  }
0xdb: {  	_ =	swait.ge [sflag:s1], $0x1000  }
0xdc: {  	[sflag:s1] =	ssyncset.done $0x0  }
0xdd: {  	[sflag:s1] =	ssyncadd.s32 $0xFFFFF000  }
0xde: {  	_ =	swait.ge [sflag:s1], $0x1000  }
0xdf: {  	[sflag:s1] =	ssyncset.done $0x0  }
0xe0: {  	[sflag:s1] =	ssyncadd.s32 $0xFFFFF000  }
0xe1: {  	_ =	swait.ge [sflag:s1], $0x1400  }
0xe2: {  	[sflag:s1] =	ssyncset.done $0x0  }
0xe3: {  	[sflag:s1] =	ssyncadd.s32 $0xFFFFEC00  }
0xe4: {  	_ =	swait.ge [sflag:s1], $0x1400  }
0xe5: {  	[sflag:s1] =	ssyncset.done $0x0  }
0xe6: {  	[sflag:s1] =	ssyncadd.s32 $0xFFFFEC00  }
0xe7: {  	_ =	swait.ge [sflag:s1], $0x1400  }
0xe8: {  	[sflag:s1] =	ssyncset.done $0x0  }
0xe9: {  	s12 =	simm.s32 $0x9820;
	[sflag:s1] =	ssyncadd.s32 $0xFFFFEC00  }
0xea: {  	s10 =	simm.s32 $0xA820;
	v3 =	vld [tilespmem:s12+$0x10]  }
0xeb: {  	s11 =	simm.s32 $0x7820;
	v4 =	vld [tilespmem:s10+$0x10]  }
0xec: {  	v8 =	vld [tilespmem:s11+$0x10]  }
0xed: {  	v1 =	vld [tilespmem:s10+$0xFFFFFFE0]  }
0xee: {  	v9 =	vld [tilespmem:s12+$0xFFFFFFF0]  }
0xef: {  	v10 =	vld [tilespmem:s10+$0xFFFFFFF0]  }
0xf0: {  	v2 =	vld [tilespmem:s12+$0x0]  }
0xf1: {  	v5 =	vld [tilespmem:s10+$0x0]  }
0xf2: {  	v7 =	vld [tilespmem:s12+$0xFFFFFFE0]  }
0xf3: {  	v6 =	vld [tilespmem:s11+$0xFFFFFFE0];
	vm0 =	vgt.f32 v3, v4  }
0xf4: {  	s30 =	smov.u32 s29;
	v3 =	vld [tilespmem:s11+$0xFFFFFFF0];
	v4 =	vnsel vm0, $0x0, v8  }
0xf5: {  	s29 =	simm.s32 $0x9860;
	s13 =	simm.s32 $0x0;
	s12 =	simm.s32 $0x7820;
	vm0 =	vgt.f32 v9, v10;
	[tilespmem:s11+$0x10] =	vst v4;
	v4 =	vld [tilespmem:s11+$0x0]  }
.LBB2_8:
0xf6: {  	v8 =	vld [tilespmem:s29+$0x10];
	vm1 =	vgt.f32 v2, v5;
	s10 =	sadd.s32 $0x40, s10  }
0xf7: {  	s13 =	sadd.s32 $0x40, s13;
	s11 =	sadd.s32 $0x40, s11;
	v5 =	vld [tilespmem:s10+$0x10];
	vm2 =	vgt.f32 v7, v1  }
0xf8: {  	p1 =	slt.u32 s13, $0xFC0;
	v7 =	vld [tilespmem:s11+$0x10];
	v2 =	vnsel vm2, $0x0, v6  }
0xf9: {  	v1 =	vld [tilespmem:s10+$0xFFFFFFE0];
	[tilespmem:s12+$0xFFFFFFE0] =	vst v2;
	v2 =	vnsel vm0, $0x0, v3  }
0xfa: {  	v3 =	vld [tilespmem:s29+$0xFFFFFFF0];
	[tilespmem:s12+$0xFFFFFFF0] =	vst v2;
	v2 =	vnsel vm1, $0x0, v4  }
0xfb: {  	v4 =	vld [tilespmem:s10+$0xFFFFFFF0];
	[tilespmem:s12+$0x0] =	vst v2;
	s12 =	smov.u32 s11  }
0xfc: {  	v2 =	vld [tilespmem:s29+$0x0];
	vm0 =	vgt.f32 v8, v5  }
.Ltmp6:
0xfd: {  	v5 =	vld [tilespmem:s10+$0x0];
	v6 =	vnsel vm0, $0x0, v7;
	(pc) =	sbr.rel @p1 .LBB2_8-.Ltmp6, $4  }
0xfe: {  	v7 =	vld [tilespmem:s29+$0xFFFFFFE0];
	[tilespmem:s11+$0x10] =	vst v6  }
0xff: {  	v6 =	vld [tilespmem:s11+$0xFFFFFFE0]  }
0x100: {  	vm0 =	vgt.f32 v3, v4;
	v3 =	vld [tilespmem:s11+$0xFFFFFFF0]  }
0x101: {  	s29 =	sadd.s32 $0x40, s29;
	v4 =	vld [tilespmem:s11+$0x0]  }
0x102: {  	_ = 	snop  }
0x103: {  	vm1 =	vgt.f32 v7, v1  }
0x104: {  	v1 =	vnsel vm1, $0x0, v6  }
0x105: {  	vm15 =	vgt.f32 v2, v5;
	[tilespmem:s12+$0xFFFFFFE0] =	vst v1;
	v1 =	vnsel vm0, $0x0, v3  }
0x106: {  	[tilespmem:s12+$0xFFFFFFF0] =	vst v1;
	v1 =	vnsel vm15, $0x0, v4  }
0x107: {  	[tilespmem:s12+$0x0] =	vst v1  }
0x108: {  	_ =	swait.ge [sflag:s1], $0x1400  }
0x109: {  	[sflag:s1] =	ssyncset.done $0x0  }
0x10a: {  	[sflag:s1] =	ssyncadd.s32 $0xFFFFEC00  }
0x10b: {  	_ =	swait.ge [sflag:s1], $0x1400  }
0x10c: {  	[sflag:s1] =	ssyncset.done $0x0  }
0x10d: {  	[sflag:s1] =	ssyncadd.s32 $0xFFFFEC00  }
0x10e: {  	_ =	swait.ge [sflag:s1], $0x1400  }
0x10f: {  	[sflag:s1] =	ssyncset.done $0x0  }
0x110: {  	s10 =	simm.s32 $0x2820;
	[sflag:s1] =	ssyncadd.s32 $0xFFFFEC00  }
0x111: {  	v2 =	vld [tilespmem:s10+$0x10];
	_ =	sdelay $0x1  }
0x112: {  	v9 =	vld [tilespmem:s10+$0xFFFFFFE0]  }
0x113: {  	s11 =	simm.s32 $0x5020;
	v12 =	vld [tilespmem:s10+$0xFFFFFFF0]  }
0x114: {  	s13 =	simm.s32 $0x20;
	v3 =	vld [tilespmem:s11+$0x10]  }
0x115: {  	v5 =	vld [tilespmem:s13+$0x10]  }
0x116: {  	v1 =	vld [tilespmem:s10+$0x0]  }
0x117: {  	v8 =	vld [tilespmem:s11+$0xFFFFFFE0]  }
0x118: {  	v4 =	vld.idx.msk [tilespmem:v2+s26+$0x0], $0xffff  }
0x119: {  	v13 =	vld [tilespmem:s13+$0xFFFFFFE0]  }
0x11a: {  	v10 =	vld [tilespmem:s11+$0xFFFFFFF0]  }
0x11b: {  	v14 =	vld [tilespmem:s13+$0xFFFFFFF0]  }
0x11c: {  	v15 =	vld [tilespmem:s13+$0x0]  }
0x11d: {  	s29 =	simm.s32 $0x2860;
	v16 =	vld [tilespmem:s11+$0x0];
	v4 =	vmul.f32 v4, v5  }
0x11e: {  	v17 =	vld [tilespmem:s29+$0x10]  }
0x11f: {  	[tilespmem:v3+s2+$0x0] =	vst.idx.add.f32.msk $0xffff, v4  }
0x120: {  	v3 =	vld.idx.msk [tilespmem:v3+s28+$0x0], $0xffff  }
0x121: {  	s11 =	simm.s32 $0x60;
	v6 =	vld.idx.msk [tilespmem:v9+s26+$0x0], $0xffff  }
0x122: {  	s10 =	simm.s32 $0x5060;
	v18 =	vld [tilespmem:s11+$0x10]  }
0x123: {  	v11 =	vld [tilespmem:s10+$0xFFFFFFF0]  }
0x124: {  	v7 =	vld.idx.msk [tilespmem:v12+s26+$0x0], $0xffff  }
0x125: {  	v4 =	vld.idx.msk [tilespmem:v1+s26+$0x0], $0xffff;
	v3 =	vmul.f32 v3, v5  }
0x126: {  	v5 =	vmul.f32 v6, v13;
	v6 =	vld [tilespmem:s10+$0x10]  }
0x127: {  	[tilespmem:v2+s3+$0x0] =	vst.idx.add.f32.msk $0xffff, v3  }
0x128: {  	[tilespmem:v8+s2+$0x0] =	vst.idx.add.f32.msk $0xffff, v5  }
0x129: {  	v3 =	vld [tilespmem:s29+$0xFFFFFFE0]  }
0x12a: {  	v5 =	vmul.f32 v4, v15;
	v4 =	vld [tilespmem:s29+$0xFFFFFFF0]  }
0x12b: {  	v2 =	vmul.f32 v7, v14;
	v7 =	vld.idx.msk [tilespmem:v17+s26+$0x0], $0xffff  }
0x12c: {  	v8 =	vld.idx.msk [tilespmem:v8+s28+$0x0], $0xffff  }
0x12d: {  	[tilespmem:v10+s2+$0x0] =	vst.idx.add.f32.msk $0xffff, v2  }
0x12e: {  	v2 =	vld [tilespmem:s29+$0x0]  }
0x12f: {  	[tilespmem:v16+s2+$0x0] =	vst.idx.add.f32.msk $0xffff, v5  }
0x130: {  	v5 =	vld [tilespmem:s11+$0xFFFFFFF0]  }
0x131: {  	v19 =	vld.idx.msk [tilespmem:v10+s28+$0x0], $0xffff  }
0x132: {  	v16 =	vld.idx.msk [tilespmem:v16+s28+$0x0], $0xffff  }
0x133: {  	v10 =	vmul.f32 v7, v18;
	v7 =	vld [tilespmem:s11+$0xFFFFFFE0]  }
0x134: {  	v13 =	vmul.f32 v8, v13;
	v8 =	vld [tilespmem:s10+$0x0]  }
0x135: {  	[tilespmem:v6+s2+$0x0] =	vst.idx.add.f32.msk $0xffff, v10  }
0x136: {  	v10 =	vld [tilespmem:s10+$0xFFFFFFE0]  }
0x137: {  	v23 =	vld.idx.msk [tilespmem:v6+s28+$0x0], $0xffff  }
0x138: {  	v20 =	vld.idx.msk [tilespmem:v3+s26+$0x0], $0xffff  }
0x139: {  	v21 =	vld.idx.msk [tilespmem:v4+s26+$0x0], $0xffff  }
0x13a: {  	v6 =	vld [tilespmem:s11+$0x0]  }
0x13b: {  	v14 =	vmul.f32 v19, v14;
	v22 =	vld.idx.msk [tilespmem:v2+s26+$0x0], $0xffff  }
0x13c: {  	[tilespmem:v9+s3+$0x0] =	vst.idx.add.f32.msk $0xffff, v13;
	v9 =	vmul.f32 v23, v18  }
0x13d: {  	[tilespmem:v12+s3+$0x0] =	vst.idx.add.f32.msk $0xffff, v14;
	v13 =	vmul.f32 v20, v7  }
0x13e: {  	v14 =	vmul.f32 v21, v5;
	[tilespmem:v17+s3+$0x0] =	vst.idx.add.f32.msk $0xffff, v9  }
0x13f: {  	[tilespmem:v10+s2+$0x0] =	vst.idx.add.f32.msk $0xffff, v13  }
0x140: {  	s12 =	simm.s32 $0x40;
	s13 =	simm.s32 $0x28A0;
	v12 =	vmul.f32 v22, v6;
	[tilespmem:v11+s2+$0x0] =	vst.idx.add.f32.msk $0xffff, v14;
	v9 =	vmul.f32 v16, v15  }
.LBB2_10:
0x141: {  	v13 =	vld [tilespmem:s13+$0x10];
	s12 =	sadd.s32 $0x40, s12  }
0x142: {  	v14 =	vld [tilespmem:s13+$0xFFFFFFE0];
	p1 =	slt.u32 s12, $0x27C0  }
0x143: {  	v15 =	vld [tilespmem:s13+$0xFFFFFFF0]  }
0x144: {  	v16 =	vld [tilespmem:s13+$0x0]  }
0x145: {  	[tilespmem:v8+s2+$0x0] =	vst.idx.add.f32.msk $0xffff, v12  }
0x146: {  	v10 =	vld.idx.msk [tilespmem:v10+s28+$0x0], $0xffff  }
0x147: {  	s10 =	sadd.s32 $0x40, s10;
	v11 =	vld.idx.msk [tilespmem:v11+s28+$0x0], $0xffff  }
0x148: {  	v12 =	vld [tilespmem:s10+$0x10]  }
0x149: {  	s11 =	sadd.s32 $0x40, s11;
	v17 =	vld.idx.msk [tilespmem:v13+s26+$0x0], $0xffff  }
0x14a: {  	v18 =	vld [tilespmem:s11+$0x10]  }
0x14b: {  	v19 =	vld.idx.msk [tilespmem:v14+s26+$0x0], $0xffff  }
0x14c: {  	v21 =	vmul.f32 v10, v7;
	v20 =	vld.idx.msk [tilespmem:v15+s26+$0x0], $0xffff  }
0x14d: {  	v23 =	vmul.f32 v11, v5;
	v22 =	vld.idx.msk [tilespmem:v16+s26+$0x0], $0xffff  }
0x14e: {  	v5 =	vld [tilespmem:s11+$0xFFFFFFF0]  }
0x14f: {  	v24 =	vld [tilespmem:s11+$0x0];
	v10 =	vmul.f32 v17, v18  }
0x150: {  	v7 =	vld [tilespmem:s11+$0xFFFFFFE0]  }
0x151: {  	[tilespmem:v12+s2+$0x0] =	vst.idx.add.f32.msk $0xffff, v10  }
0x152: {  	v17 =	vld.idx.msk [tilespmem:v12+s28+$0x0], $0xffff  }
0x153: {  	v10 =	vld [tilespmem:s10+$0xFFFFFFE0];
	v20 =	vmul.f32 v20, v5  }
0x154: {  	v11 =	vld [tilespmem:s10+$0xFFFFFFF0];
	v12 =	vmul.f32 v22, v24  }
0x155: {  	v19 =	vmul.f32 v19, v7;
	v22 =	vld [tilespmem:s10+$0x0]  }
0x156: {  	v25 =	vld.idx.msk [tilespmem:v8+s28+$0x0], $0xffff  }
0x157: {  	[tilespmem:v3+s3+$0x0] =	vst.idx.add.f32.msk $0xffff, v21;
	v3 =	vmov v14  }
.Ltmp7:
0x158: {  	v14 =	vmul.f32 v17, v18;
	[tilespmem:v4+s3+$0x0] =	vst.idx.add.f32.msk $0xffff, v23;
	v4 =	vmov v15;
	(pc) =	sbr.rel @p1 .LBB2_10-.Ltmp7, $4  }
0x159: {  	[tilespmem:v1+s3+$0x0] =	vst.idx.add.f32.msk $0xffff, v9;
	v1 =	vmov v2;
	v2 =	vmov v16  }
0x15a: {  	[tilespmem:v13+s3+$0x0] =	vst.idx.add.f32.msk $0xffff, v14;
	v8 =	vmov v22  }
0x15b: {  	[tilespmem:v10+s2+$0x0] =	vst.idx.add.f32.msk $0xffff, v19  }
0x15c: {  	s13 =	sadd.s32 $0x40, s13;
	v9 =	vmul.f32 v25, v6;
	v6 =	vmov v24;
	[tilespmem:v11+s2+$0x0] =	vst.idx.add.f32.msk $0xffff, v20  }
.Ltmp8:
0x15d: {  	_ = 	snop;
	(pc) =	sbr.rel .LBB2_11-.Ltmp8, $1  }
0x15e: {  	_ =	sdelay $0x3  }
.LBB2_13:
0x15f: {  	_ =	sfence.sel $0x180000  }
0x160: {  	[bflag:$0x0] =	sbarrier.arrive $0xFFFF  }
0x161: {  	_ =	strace $0x90000047  }
0x162: {  	s0 =	stileid.u32;
	[bflag:$0x2] =	sbarrier.arrive $0xFFFF  }
0x163: {  	p0 =	sne.s32 s0, $0x0;
	s0 =	rddreg [dreg:$0xb]  }
0x164: {  	s0 =	sadd.s32 @!p0 $0x100000, s0  }
0x165: {  	[sflag:s0] =	ssyncadd.tile.s32 @!p0 $0x1;
	_ =	shalt  }
.Lfunc_end2:
_tile_overlayer_lowered:
.L_overlay_start_2:
0x166: {  	(tag) =	ssettag $0x2  }
0x167: {  	s0 =	rddreg [dreg:$0x0];
	s2 =	stileid.u32  }
0x168: {  	s1 =	rddreg [dreg:$0x1];
	p0 =	sne.s32 s2, $0x0  }
0x169: {  	s3 =	rddreg [dreg:$0x2];
	[bflag:$0x3] =	sbarrier.arrive $0xFFFF;
	s2 =	simm.s32 @!p0 $0x1C02  }
0x16a: {  	[timem:s3], [sflag:s2] =	dma.local @!p0 [hbm:s0], s1  }
0x16b: {  	s0 =	simm.s32 @!p0 $0x2  }
0x16c: {  	_ =	swait.ge @!p0 [sflag:s0], s1  }
0x16d: {  	s1 =	ssub.s32 @!p0 $0x0, s1;
	[sflag:s0] =	ssyncset.done @!p0 $0x0  }
0x16e: {  	[sflag:s0] =	ssyncadd.s32 @!p0 s1  }
0x16f: {  	[bflag:$0x3] =	sbarrier.arrive $0xFFFF  }
0x170: {  	_ =	shalt  }

</sc_bundles>
